<compile_context>
chip_gen: v7x
topology: tpu7x:2x2x1
jax: 0.10.2.dev20260603
libtpu: 0.0.44.dev20260713+nightly
codegen_flags: <defaults>
</compile_context>

<pallas_src>
import functools

import jax
import jax.numpy as jnp
from jax import lax
from jax.experimental import pallas as pl
from jax.experimental.pallas import tpu as pltpu
from jax.experimental.pallas import tpu_sc as plsc

Q = 1024
D = 768
K = 100000
TK = 5
KB = 2048
NB = (K + KB - 1) // KB

_NC = 2
_NS = 16
_NW = _NC * _NS
_RPW = (Q * TK) // _NW
_CH = _RPW // 2


def _topk_body(q_ref, k_ref, vals_ref, idx_ref, qbf_ref, *rr):
    b = pl.program_id(0)

    @pl.when(b == 0)
    def _init():
        q = q_ref[...]
        qs = jnp.sum(q * q, axis=1, keepdims=True)
        qn = q * (1.0 / (jnp.sqrt(qs) + 1e-12))
        qbf_ref[...] = qn.astype(jnp.bfloat16)
        for j in range(TK):
            rr[j][...] = jnp.full((1, Q), -jnp.inf, jnp.float32)
            rr[TK + j][...] = jnp.zeros((1, Q), jnp.int32)

    kb = k_ref[...]
    ksq = jnp.sum(kb * kb, axis=1, keepdims=True)
    kinv = 1.0 / (jnp.sqrt(ksq) + 1e-12)
    knb = (kb * kinv).astype(jnp.bfloat16)
    s = lax.dot_general(
        knb, qbf_ref[...], (((1,), (1,)), ((), ())),
        preferred_element_type=jnp.float32,
    )
    base = b * KB
    rowf = lax.broadcasted_iota(jnp.int32, (KB, Q), 0).astype(jnp.float32)
    s = jnp.where(rowf < (K - base).astype(jnp.float32), s, -jnp.inf)

    rv = [rr[j][...] for j in range(TK)]
    ri = [rr[TK + j][...] for j in range(TK)]
    for t in range(TK):
        m = jnp.max(s, axis=0, keepdims=True)
        eq = s == m
        amf = jnp.min(jnp.where(eq, rowf, jnp.inf), axis=0, keepdims=True)
        if t < TK - 1:
            s = jnp.where(rowf == amf, -jnp.inf, s)
        gi = amf.astype(jnp.int32) + base
        xv, xi = m, gi
        for j in range(TK):
            sw = (xv > rv[j]) | ((xv == rv[j]) & (xi < ri[j]))
            rv[j], xv = jnp.where(sw, xv, rv[j]), jnp.where(sw, rv[j], xv)
            ri[j], xi = jnp.where(sw, xi, ri[j]), jnp.where(sw, ri[j], xi)
    for j in range(TK):
        rr[j][...] = rv[j]
        rr[TK + j][...] = ri[j]

    @pl.when(b == NB - 1)
    def _fin():
        for j in range(TK):
            vals_ref[j : j + 1, :] = rv[j]
            idx_ref[j : j + 1, :] = ri[j]


_topk_call = pl.pallas_call(
    _topk_body,
    grid=(NB,),
    in_specs=[
        pl.BlockSpec((Q, D), lambda b: (0, 0)),
        pl.BlockSpec((KB, D), lambda b: (b, 0)),
    ],
    out_specs=[
        pl.BlockSpec((TK, Q), lambda b: (0, 0)),
        pl.BlockSpec((TK, Q), lambda b: (0, 0)),
    ],
    out_shape=[
        jax.ShapeDtypeStruct((TK, Q), jnp.float32),
        jax.ShapeDtypeStruct((TK, Q), jnp.int32),
    ],
    scratch_shapes=(
        [pltpu.VMEM((Q, D), jnp.bfloat16)]
        + [pltpu.VMEM((1, Q), jnp.float32) for _ in range(TK)]
        + [pltpu.VMEM((1, Q), jnp.int32) for _ in range(TK)]
    ),
    compiler_params=pltpu.CompilerParams(dimension_semantics=("arbitrary",)),
)


def _gather_body(idx_hbm, tab_hbm, out_hbm, idx_v, rows_v, sem):
    wid = lax.axis_index("s") * _NC + lax.axis_index("c")
    base = wid * _RPW
    pltpu.sync_copy(idx_hbm.at[pl.ds(base, _RPW)], idx_v)
    c0 = pltpu.async_copy(
        tab_hbm.at[idx_v.at[pl.ds(0, _CH)]], rows_v.at[pl.ds(0, _CH)], sem)
    c1 = pltpu.async_copy(
        tab_hbm.at[idx_v.at[pl.ds(_CH, _CH)]], rows_v.at[pl.ds(_CH, _CH)], sem)
    c0.wait()
    c1.wait()
    pltpu.sync_copy(rows_v, out_hbm.at[pl.ds(base, _RPW)])


@functools.cache
def _gather_call():
    return pl.kernel(
        _gather_body,
        out_type=jax.ShapeDtypeStruct((Q * TK, D), jnp.float32),
        mesh=plsc.VectorSubcoreMesh(core_axis_name="c", subcore_axis_name="s"),
        scratch_types=[
            pltpu.VMEM((_RPW,), jnp.int32),
            pltpu.VMEM((_RPW, D), jnp.float32),
            pltpu.SemaphoreType.DMA,
        ],
    )


def _evnorm_body(e_ref, o_ref):
    e = e_ref[...]
    sq = jnp.sum(e * e, axis=1, keepdims=True)
    o_ref[...] = e / (jnp.sqrt(sq) + 1e-12)


_evnorm_call = pl.pallas_call(
    _evnorm_body,
    grid=(8,),
    in_specs=[pl.BlockSpec((Q * TK // 8, D), lambda i: (i, 0))],
    out_specs=pl.BlockSpec((Q * TK // 8, D), lambda i: (i, 0)),
    out_shape=jax.ShapeDtypeStruct((Q * TK, D), jnp.float32),
)


def kernel(queries, keys):
    tv_t, ti_t = _topk_call(queries, keys)
    top_vals, top_idx = tv_t.T, ti_t.T
    flat_idx = top_idx.reshape(Q * TK)
    ev_raw = _gather_call()(flat_idx, keys)
    evidence = _evnorm_call(ev_raw).reshape(Q, TK, D)
    return top_vals, top_idx, evidence

# --- scband reference (transcript-rebuilt; emitter-appended) ---
"""Pipeline reference for scband-retriever-agent-34153579938347 (READ-ONLY COPY).

The authoritative reference and input builder live on the scoring server;
editing this copy changes nothing except your own understanding.
"""

import jax, jax.numpy as jnp
import numpy as np

TOP_K = 5

def setup_inputs(seed: int = 0) -> dict:
    key = jax.random.key(seed)
    kq, kk = jax.random.split(key)
    queries = jax.random.normal(kq, (1024, 768), dtype=jnp.float32)
    keys = jax.random.normal(kk, (100000, 768), dtype=jnp.float32)
    return {"queries": queries, "keys": keys}

def reference(queries, keys):
    # DPR/FAISS-style retrieval core: L2-normalize both sides (faiss.normalize_L2),
    # inner-product search (IndexFlatIP), take top-k, gather evidence embeddings.
    qn = queries / (jnp.linalg.norm(queries, axis=-1, keepdims=True) + 1e-12)
    kn = keys / (jnp.linalg.norm(keys, axis=-1, keepdims=True) + 1e-12)
    scores = qn @ kn.T                      # (Q, K) cosine similarities
    top_vals, top_idx = jax.lax.top_k(scores, TOP_K)   # (Q, top_k)
    evidence = jnp.take(kn, top_idx, axis=0)           # (Q, top_k, d) gathered passages
    return top_vals, top_idx, evidence

if __name__ == "__main__":
    import jax
    _d = setup_inputs()
    print(jax.jit(kernel)(*tuple(_d.values())))

</pallas_src>

<mosaic_0001>
#map = affine_map<(d0, d1) -> (0)>
#map1 = affine_map<(d0, d1) -> (0, 0)>
module attributes {stable_mosaic.version = 14 : i64} {
  func.func @_gather_body(%arg0: i32, %arg1: i32, %arg2: memref<5120xi32, #tpu.memory_space<hbm>>, %arg3: memref<100000x768xf32, #tpu.memory_space<hbm>>, %arg4: memref<5120x768xf32, #tpu.memory_space<hbm>>, %arg5: memref<160xi32, #tpu.memory_space<vmem>>, %arg6: memref<160x768xf32, #tpu.memory_space<vmem>>, %arg7: memref<!tpu.dma_semaphore, #tpu.memory_space<semaphore_mem>>) attributes {dimension_semantics = [#tpu.dimension_semantics<core_parallel>, #tpu.dimension_semantics<subcore_parallel>], iteration_bounds = array<i64: 2, 16>, scalar_prefetch = 0 : i64, scratch_operands = 3 : i64, tpu.core_type = #tpu.core_type<sc_vector_subcore>, window_params = [{transform_indices = #map}, {transform_indices = #map1}, {transform_indices = #map1}]} {
    %mul3A = arith.constant 2 : i32
    %mul3A_0 = arith.muli %arg1, %mul3A : i32
    %add3A = arith.addi %mul3A_0, %arg0 : i32
    %mul3A_1 = arith.constant 160 : i32
    %mul3A_2 = arith.muli %add3A, %mul3A_1 : i32
    "tpu.region"() ({
      %run_scoped3A = tpu.sem_alloc : memref<!tpu.dma_semaphore, #tpu.memory_space<semaphore_mem>>
      %dma_start3A_33 = tpu.memref_slice %arg2[%mul3A_2] : memref<5120xi32, #tpu.memory_space<hbm>> -> memref<160xi32, #tpu.memory_space<hbm>>
      %dma_start3A_34 = tpu.memref_slice %arg2[%mul3A_2] : memref<5120xi32, #tpu.memory_space<hbm>> -> memref<160xi32, #tpu.memory_space<hbm>>
      tpu.enqueue_dma source(%dma_start3A_34 : memref<160xi32, #tpu.memory_space<hbm>>) target(%arg5 : memref<160xi32, #tpu.memory_space<vmem>>) target_semaphore(%run_scoped3A : memref<!tpu.dma_semaphore, #tpu.memory_space<semaphore_mem>>)
      %dma_wait3A_35 = tpu.memref_slice %arg2[%mul3A_2] : memref<5120xi32, #tpu.memory_space<hbm>> -> memref<160xi32, #tpu.memory_space<hbm>>
      %dma_wait3A_36 = tpu.memref_slice %arg2[%mul3A_2] : memref<5120xi32, #tpu.memory_space<hbm>> -> memref<160xi32, #tpu.memory_space<hbm>>
      tpu.wait_dma2 semaphore(%run_scoped3A : memref<!tpu.dma_semaphore, #tpu.memory_space<semaphore_mem>>) src(%dma_wait3A_36 : memref<160xi32, #tpu.memory_space<hbm>>) dst(%arg5 : memref<160xi32, #tpu.memory_space<vmem>>)
      tpu.yield
    }) : () -> ()
    %dma_start3A = arith.constant 0 : i32
    %dma_start3A_3 = arith.constant 0 : i32
    %dma_start3A_4 = tpu.memref_slice %arg6[%dma_start3A, %dma_start3A_3] : memref<160x768xf32, #tpu.memory_space<vmem>> -> memref<80x768xf32, #tpu.memory_space<vmem>>
    %dma_start3A_5 = arith.constant 0 : i32
    %dma_start3A_6 = tpu.memref_slice %arg5[%dma_start3A_5] : memref<160xi32, #tpu.memory_space<vmem>> -> memref<80xi32, #tpu.memory_space<vmem>>
    %dma_start3A_7 = arith.constant 0 : i32
    %dma_start3A_8 = arith.constant 0 : i32
    %dma_start3A_9 = tpu.memref_slice %arg3[%dma_start3A_7, %dma_start3A_8] : memref<100000x768xf32, #tpu.memory_space<hbm>> -> memref<100000x768xf32, #tpu.memory_space<hbm>>
    tpu.enqueue_indirect_dma source(%dma_start3A_9 : memref<100000x768xf32, #tpu.memory_space<hbm>>) target(%dma_start3A_4 : memref<80x768xf32, #tpu.memory_space<vmem>>) offsets(%dma_start3A_6 : memref<80xi32, #tpu.memory_space<vmem>>) semaphore(%arg7 : memref<!tpu.dma_semaphore, #tpu.memory_space<semaphore_mem>>)
    %dma_start3A_10 = arith.constant 80 : i32
    %dma_start3A_11 = arith.constant 0 : i32
    %dma_start3A_12 = tpu.memref_slice %arg6[%dma_start3A_10, %dma_start3A_11] : memref<160x768xf32, #tpu.memory_space<vmem>> -> memref<80x768xf32, #tpu.memory_space<vmem>>
    %dma_start3A_13 = arith.constant 80 : i32
    %dma_start3A_14 = tpu.memref_slice %arg5[%dma_start3A_13] : memref<160xi32, #tpu.memory_space<vmem>> -> memref<80xi32, #tpu.memory_space<vmem>>
    %dma_start3A_15 = arith.constant 0 : i32
    %dma_start3A_16 = arith.constant 0 : i32
    %dma_start3A_17 = tpu.memref_slice %arg3[%dma_start3A_15, %dma_start3A_16] : memref<100000x768xf32, #tpu.memory_space<hbm>> -> memref<100000x768xf32, #tpu.memory_space<hbm>>
    tpu.enqueue_indirect_dma source(%dma_start3A_17 : memref<100000x768xf32, #tpu.memory_space<hbm>>) target(%dma_start3A_12 : memref<80x768xf32, #tpu.memory_space<vmem>>) offsets(%dma_start3A_14 : memref<80xi32, #tpu.memory_space<vmem>>) semaphore(%arg7 : memref<!tpu.dma_semaphore, #tpu.memory_space<semaphore_mem>>)
    %dma_wait3A = arith.constant 0 : i32
    %dma_wait3A_18 = arith.constant 0 : i32
    %dma_wait3A_19 = tpu.memref_slice %arg6[%dma_wait3A, %dma_wait3A_18] : memref<160x768xf32, #tpu.memory_space<vmem>> -> memref<80x768xf32, #tpu.memory_space<vmem>>
    %dma_wait3A_20 = arith.constant 0 : i32
    %dma_wait3A_21 = tpu.memref_slice %arg5[%dma_wait3A_20] : memref<160xi32, #tpu.memory_space<vmem>> -> memref<80xi32, #tpu.memory_space<vmem>>
    %dma_wait3A_22 = arith.constant 0 : i32
    %dma_wait3A_23 = arith.constant 0 : i32
    %dma_wait3A_24 = tpu.memref_slice %arg3[%dma_wait3A_22, %dma_wait3A_23] : memref<100000x768xf32, #tpu.memory_space<hbm>> -> memref<100000x768xf32, #tpu.memory_space<hbm>>
    tpu.wait_indirect_dma semaphore(%arg7 : memref<!tpu.dma_semaphore, #tpu.memory_space<semaphore_mem>>) src(%dma_wait3A_24 : memref<100000x768xf32, #tpu.memory_space<hbm>>) dst(%dma_wait3A_19 : memref<80x768xf32, #tpu.memory_space<vmem>>)
    %dma_wait3A_25 = arith.constant 80 : i32
    %dma_wait3A_26 = arith.constant 0 : i32
    %dma_wait3A_27 = tpu.memref_slice %arg6[%dma_wait3A_25, %dma_wait3A_26] : memref<160x768xf32, #tpu.memory_space<vmem>> -> memref<80x768xf32, #tpu.memory_space<vmem>>
    %dma_wait3A_28 = arith.constant 80 : i32
    %dma_wait3A_29 = tpu.memref_slice %arg5[%dma_wait3A_28] : memref<160xi32, #tpu.memory_space<vmem>> -> memref<80xi32, #tpu.memory_space<vmem>>
    %dma_wait3A_30 = arith.constant 0 : i32
    %dma_wait3A_31 = arith.constant 0 : i32
    %dma_wait3A_32 = tpu.memref_slice %arg3[%dma_wait3A_30, %dma_wait3A_31] : memref<100000x768xf32, #tpu.memory_space<hbm>> -> memref<100000x768xf32, #tpu.memory_space<hbm>>
    tpu.wait_indirect_dma semaphore(%arg7 : memref<!tpu.dma_semaphore, #tpu.memory_space<semaphore_mem>>) src(%dma_wait3A_32 : memref<100000x768xf32, #tpu.memory_space<hbm>>) dst(%dma_wait3A_27 : memref<80x768xf32, #tpu.memory_space<vmem>>)
    "tpu.region"() ({
      %run_scoped3A = tpu.sem_alloc : memref<!tpu.dma_semaphore, #tpu.memory_space<semaphore_mem>>
      %dma_start3A_33 = arith.constant 0 : i32
      %dma_start3A_34 = tpu.memref_slice %arg4[%mul3A_2, %dma_start3A_33] : memref<5120x768xf32, #tpu.memory_space<hbm>> -> memref<160x768xf32, #tpu.memory_space<hbm>>
      %dma_start3A_35 = arith.constant 0 : i32
      %dma_start3A_36 = tpu.memref_slice %arg4[%mul3A_2, %dma_start3A_35] : memref<5120x768xf32, #tpu.memory_space<hbm>> -> memref<160x768xf32, #tpu.memory_space<hbm>>
      tpu.enqueue_dma source(%arg6 : memref<160x768xf32, #tpu.memory_space<vmem>>) target(%dma_start3A_36 : memref<160x768xf32, #tpu.memory_space<hbm>>) target_semaphore(%run_scoped3A : memref<!tpu.dma_semaphore, #tpu.memory_space<semaphore_mem>>)
      %dma_wait3A_37 = arith.constant 0 : i32
      %dma_wait3A_38 = tpu.memref_slice %arg4[%mul3A_2, %dma_wait3A_37] : memref<5120x768xf32, #tpu.memory_space<hbm>> -> memref<160x768xf32, #tpu.memory_space<hbm>>
      %dma_wait3A_39 = arith.constant 0 : i32
      %dma_wait3A_40 = tpu.memref_slice %arg4[%mul3A_2, %dma_wait3A_39] : memref<5120x768xf32, #tpu.memory_space<hbm>> -> memref<160x768xf32, #tpu.memory_space<hbm>>
      tpu.wait_dma2 semaphore(%run_scoped3A : memref<!tpu.dma_semaphore, #tpu.memory_space<semaphore_mem>>) src(%arg6 : memref<160x768xf32, #tpu.memory_space<vmem>>) dst(%dma_wait3A_40 : memref<160x768xf32, #tpu.memory_space<hbm>>)
      tpu.yield
    }) : () -> ()
    return
  }
}

module attributes {stable_mosaic.version = 14 : i64} {
  func.func @_topk_body(%arg0: i32, %arg1: memref<1024x768xf32, #tpu.memory_space<vmem>>, %arg2: memref<2048x768xf32, #tpu.memory_space<vmem>>, %arg3: memref<5x1024xf32, #tpu.memory_space<vmem>>, %arg4: memref<5x1024xi32, #tpu.memory_space<vmem>>, %arg5: memref<1024x768xbf16, #tpu.memory_space<vmem>>, %arg6: memref<1x1024xf32, #tpu.memory_space<vmem>>, %arg7: memref<1x1024xf32, #tpu.memory_space<vmem>>, %arg8: memref<1x1024xf32, #tpu.memory_space<vmem>>, %arg9: memref<1x1024xf32, #tpu.memory_space<vmem>>, %arg10: memref<1x1024xf32, #tpu.memory_space<vmem>>, %arg11: memref<1x1024xi32, #tpu.memory_space<vmem>>, %arg12: memref<1x1024xi32, #tpu.memory_space<vmem>>, %arg13: memref<1x1024xi32, #tpu.memory_space<vmem>>, %arg14: memref<1x1024xi32, #tpu.memory_space<vmem>>, %arg15: memref<1x1024xi32, #tpu.memory_space<vmem>>) attributes {dimension_semantics = [#tpu.dimension_semantics<arbitrary>], iteration_bounds = array<i64: 49>, scalar_prefetch = 0 : i64, scratch_operands = 11 : i64, tpu.core_type = #tpu.core_type<tc>, window_params = [{pipeline_mode = #tpu.pipeline_mode<synchronous>, transform_indices = @transform_0, window_bounds = array<i64: 1024, 768>}, {transform_indices = @transform_1, window_bounds = array<i64: 2048, 768>}, {pipeline_mode = #tpu.pipeline_mode<synchronous>, transform_indices = @transform_2, window_bounds = array<i64: 5, 1024>}, {pipeline_mode = #tpu.pipeline_mode<synchronous>, transform_indices = @transform_3, window_bounds = array<i64: 5, 1024>}]} {
    %eq3A = arith.constant 0 : i32
    %eq3A_0 = arith.cmpi eq, %arg0, %eq3A : i32
    %convert_element_type3A = arith.extui %eq3A_0 : i1 to i32
    %cond3A = arith.constant 0 : i32
    %cond3A_1 = arith.cmpi ne, %convert_element_type3A, %cond3A : i32
    scf.if %cond3A_1 {
      %get3A_387 = arith.constant 0 : index
      %get3A_388 = arith.constant 0 : index
      %get3A_389 = vector.load %arg1[%get3A_387, %get3A_388] : memref<1024x768xf32, #tpu.memory_space<vmem>>, vector<1024x768xf32>
      %mul3A_390 = arith.mulf %get3A_389, %get3A_389 : vector<1024x768xf32>
      %reduce_sum3A_391 = arith.constant dense<0.000000e+00> : vector<1024xf32>
      %reduce_sum3A_392 = vector.multi_reduction <add>, %mul3A_390, %reduce_sum3A_391 [1] : vector<1024x768xf32> to vector<1024xf32>
      %broadcast_in_dim3A_393 = vector.shape_cast %reduce_sum3A_392 : vector<1024xf32> to vector<1024x1xf32>
      %sqrt3A_394 = math.sqrt %broadcast_in_dim3A_393 : vector<1024x1xf32>
      %add3A_395 = arith.constant 9.99999996E-13 : f32
      %add3A_396 = vector.broadcast %add3A_395 : f32 to vector<1024x1xf32>
      %add3A_397 = arith.addf %sqrt3A_394, %add3A_396 : vector<1024x1xf32>
      %div3A_398 = arith.constant 1.000000e+00 : f32
      %div3A_399 = vector.broadcast %div3A_398 : f32 to vector<1024x1xf32>
      %div3A_400 = arith.divf %div3A_399, %add3A_397 : vector<1024x1xf32>
      %mul3A_401 = vector.broadcast %div3A_400 : vector<1024x1xf32> to vector<1024x768xf32>
      %mul3A_402 = arith.mulf %get3A_389, %mul3A_401 : vector<1024x768xf32>
      %convert_element_type3A_403 = arith.truncf %mul3A_402 : vector<1024x768xf32> to vector<1024x768xbf16>
      %swap3A_404 = arith.constant 0 : index
      %swap3A_405 = arith.constant 0 : index
      %swap3A_406 = vector.load %arg5[%swap3A_404, %swap3A_405] : memref<1024x768xbf16, #tpu.memory_space<vmem>>, vector<1024x768xbf16>
      tpu.vector_store %arg5[%swap3A_404, %swap3A_405], %convert_element_type3A_403 {strides = array<i32>} : memref<1024x768xbf16, #tpu.memory_space<vmem>>, vector<1024x768xbf16>,
      %broadcast_in_dim3A_407 = arith.constant 0xFF800000 : f32
      %broadcast_in_dim3A_408 = vector.broadcast %broadcast_in_dim3A_407 : f32 to vector<1x1024xf32>
      %swap3A_409 = arith.constant 0 : index
      %swap3A_410 = arith.constant 0 : index
      %swap3A_411 = vector.load %arg6[%swap3A_409, %swap3A_410] : memref<1x1024xf32, #tpu.memory_space<vmem>>, vector<1x1024xf32>
      tpu.vector_store %arg6[%swap3A_409, %swap3A_410], %broadcast_in_dim3A_408 {strides = array<i32>} : memref<1x1024xf32, #tpu.memory_space<vmem>>, vector<1x1024xf32>,
      %broadcast_in_dim3A_412 = arith.constant 0 : i32
      %broadcast_in_dim3A_413 = vector.broadcast %broadcast_in_dim3A_412 : i32 to vector<1x1024xi32>
      %swap3A_414 = arith.constant 0 : index
      %swap3A_415 = arith.constant 0 : index
      %swap3A_416 = vector.load %arg11[%swap3A_414, %swap3A_415] : memref<1x1024xi32, #tpu.memory_space<vmem>>, vector<1x1024xi32>
      tpu.vector_store %arg11[%swap3A_414, %swap3A_415], %broadcast_in_dim3A_413 {strides = array<i32>} : memref<1x1024xi32, #tpu.memory_space<vmem>>, vector<1x1024xi32>,
      %broadcast_in_dim3A_417 = arith.constant 0xFF800000 : f32
      %broadcast_in_dim3A_418 = vector.broadcast %broadcast_in_dim3A_417 : f32 to vector<1x1024xf32>
      %swap3A_419 = arith.constant 0 : index
      %swap3A_420 = arith.constant 0 : index
      %swap3A_421 = vector.load %arg7[%swap3A_419, %swap3A_420] : memref<1x1024xf32, #tpu.memory_space<vmem>>, vector<1x1024xf32>
      tpu.vector_store %arg7[%swap3A_419, %swap3A_420], %broadcast_in_dim3A_418 {strides = array<i32>} : memref<1x1024xf32, #tpu.memory_space<vmem>>, vector<1x1024xf32>,
      %broadcast_in_dim3A_422 = arith.constant 0 : i32
      %broadcast_in_dim3A_423 = vector.broadcast %broadcast_in_dim3A_422 : i32 to vector<1x1024xi32>
      %swap3A_424 = arith.constant 0 : index
      %swap3A_425 = arith.constant 0 : index
      %swap3A_426 = vector.load %arg12[%swap3A_424, %swap3A_425] : memref<1x1024xi32, #tpu.memory_space<vmem>>, vector<1x1024xi32>
      tpu.vector_store %arg12[%swap3A_424, %swap3A_425], %broadcast_in_dim3A_423 {strides = array<i32>} : memref<1x1024xi32, #tpu.memory_space<vmem>>, vector<1x1024xi32>,
      %broadcast_in_dim3A_427 = arith.constant 0xFF800000 : f32
      %broadcast_in_dim3A_428 = vector.broadcast %broadcast_in_dim3A_427 : f32 to vector<1x1024xf32>
      %swap3A_429 = arith.constant 0 : index
      %swap3A_430 = arith.constant 0 : index
      %swap3A_431 = vector.load %arg8[%swap3A_429, %swap3A_430] : memref<1x1024xf32, #tpu.memory_space<vmem>>, vector<1x1024xf32>
      tpu.vector_store %arg8[%swap3A_429, %swap3A_430], %broadcast_in_dim3A_428 {strides = array<i32>} : memref<1x1024xf32, #tpu.memory_space<vmem>>, vector<1x1024xf32>,
      %broadcast_in_dim3A_432 = arith.constant 0 : i32
      %broadcast_in_dim3A_433 = vector.broadcast %broadcast_in_dim3A_432 : i32 to vector<1x1024xi32>
      %swap3A_434 = arith.constant 0 : index
      %swap3A_435 = arith.constant 0 : index
      %swap3A_436 = vector.load %arg13[%swap3A_434, %swap3A_435] : memref<1x1024xi32, #tpu.memory_space<vmem>>, vector<1x1024xi32>
      tpu.vector_store %arg13[%swap3A_434, %swap3A_435], %broadcast_in_dim3A_433 {strides = array<i32>} : memref<1x1024xi32, #tpu.memory_space<vmem>>, vector<1x1024xi32>,
      %broadcast_in_dim3A_437 = arith.constant 0xFF800000 : f32
      %broadcast_in_dim3A_438 = vector.broadcast %broadcast_in_dim3A_437 : f32 to vector<1x1024xf32>
      %swap3A_439 = arith.constant 0 : index
      %swap3A_440 = arith.constant 0 : index
      %swap3A_441 = vector.load %arg9[%swap3A_439, %swap3A_440] : memref<1x1024xf32, #tpu.memory_space<vmem>>, vector<1x1024xf32>
      tpu.vector_store %arg9[%swap3A_439, %swap3A_440], %broadcast_in_dim3A_438 {strides = array<i32>} : memref<1x1024xf32, #tpu.memory_space<vmem>>, vector<1x1024xf32>,
      %broadcast_in_dim3A_442 = arith.constant 0 : i32
      %broadcast_in_dim3A_443 = vector.broadcast %broadcast_in_dim3A_442 : i32 to vector<1x1024xi32>
      %swap3A_444 = arith.constant 0 : index
      %swap3A_445 = arith.constant 0 : index
      %swap3A_446 = vector.load %arg14[%swap3A_444, %swap3A_445] : memref<1x1024xi32, #tpu.memory_space<vmem>>, vector<1x1024xi32>
      tpu.vector_store %arg14[%swap3A_444, %swap3A_445], %broadcast_in_dim3A_443 {strides = array<i32>} : memref<1x1024xi32, #tpu.memory_space<vmem>>, vector<1x1024xi32>,
      %broadcast_in_dim3A_447 = arith.constant 0xFF800000 : f32
      %broadcast_in_dim3A_448 = vector.broadcast %broadcast_in_dim3A_447 : f32 to vector<1x1024xf32>
      %swap3A_449 = arith.constant 0 : index
      %swap3A_450 = arith.constant 0 : index
      %swap3A_451 = vector.load %arg10[%swap3A_449, %swap3A_450] : memref<1x1024xf32, #tpu.memory_space<vmem>>, vector<1x1024xf32>
      tpu.vector_store %arg10[%swap3A_449, %swap3A_450], %broadcast_in_dim3A_448 {strides = array<i32>} : memref<1x1024xf32, #tpu.memory_space<vmem>>, vector<1x1024xf32>,
      %broadcast_in_dim3A_452 = arith.constant 0 : i32
      %broadcast_in_dim3A_453 = vector.broadcast %broadcast_in_dim3A_452 : i32 to vector<1x1024xi32>
      %swap3A_454 = arith.constant 0 : index
      %swap3A_455 = arith.constant 0 : index
      %swap3A_456 = vector.load %arg15[%swap3A_454, %swap3A_455] : memref<1x1024xi32, #tpu.memory_space<vmem>>, vector<1x1024xi32>
      tpu.vector_store %arg15[%swap3A_454, %swap3A_455], %broadcast_in_dim3A_453 {strides = array<i32>} : memref<1x1024xi32, #tpu.memory_space<vmem>>, vector<1x1024xi32>,
    } else {
    }
    %get3A = arith.constant 0 : index
    %get3A_2 = arith.constant 0 : index
    %get3A_3 = vector.load %arg2[%get3A, %get3A_2] : memref<2048x768xf32, #tpu.memory_space<vmem>>, vector<2048x768xf32>
    %mul3A = arith.mulf %get3A_3, %get3A_3 : vector<2048x768xf32>
    %reduce_sum3A = arith.constant dense<0.000000e+00> : vector<2048xf32>
    %reduce_sum3A_4 = vector.multi_reduction <add>, %mul3A, %reduce_sum3A [1] : vector<2048x768xf32> to vector<2048xf32>
    %broadcast_in_dim3A = vector.shape_cast %reduce_sum3A_4 : vector<2048xf32> to vector<2048x1xf32>
    %sqrt3A = math.sqrt %broadcast_in_dim3A : vector<2048x1xf32>
    %add3A = arith.constant 9.99999996E-13 : f32
    %add3A_5 = vector.broadcast %add3A : f32 to vector<2048x1xf32>
    %add3A_6 = arith.addf %sqrt3A, %add3A_5 : vector<2048x1xf32>
    %div3A = arith.constant 1.000000e+00 : f32
    %div3A_7 = vector.broadcast %div3A : f32 to vector<2048x1xf32>
    %div3A_8 = arith.divf %div3A_7, %add3A_6 : vector<2048x1xf32>
    %mul3A_9 = vector.broadcast %div3A_8 : vector<2048x1xf32> to vector<2048x768xf32>
    %mul3A_10 = arith.mulf %get3A_3, %mul3A_9 : vector<2048x768xf32>
    %convert_element_type3A_11 = arith.truncf %mul3A_10 : vector<2048x768xf32> to vector<2048x768xbf16>
    %get3A_12 = arith.constant 0 : index
    %get3A_13 = arith.constant 0 : index
    %get3A_14 = vector.load %arg5[%get3A_12, %get3A_13] : memref<1024x768xbf16, #tpu.memory_space<vmem>>, vector<1024x768xbf16>
    %dot_general3A = arith.constant dense<0.000000e+00> : vector<2048x1024xf32>
    %dot_general3A_15 = tpu.matmul %convert_element_type3A_11, %get3A_14, %dot_general3A {dimension_numbers = #tpu.dot_dimension_numbers<[1], [1], [0], [0], [0, 0, 1, 0], [], []>, transpose_lhs_hint = false} : vector<2048x768xbf16>, vector<1024x768xbf16>, vector<2048x1024xf32> -> vector<2048x1024xf32>
    %mul3A_16 = arith.constant 2048 : i32
    %mul3A_17 = arith.muli %arg0, %mul3A_16 : i32
    %iota3A = tpu.iota {dimensions = array<i32: 0>} : vector<2048x1024xi32>
    %convert_element_type3A_18 = arith.sitofp %iota3A : vector<2048x1024xi32> to vector<2048x1024xf32>
    %sub3A = arith.constant 100000 : i32
    %sub3A_19 = arith.subi %sub3A, %mul3A_17 : i32
    %convert_element_type3A_20 = arith.sitofp %sub3A_19 : i32 to f32
    %lt3A = vector.broadcast %convert_element_type3A_20 : f32 to vector<2048x1024xf32>
    %lt3A_21 = arith.cmpf olt, %convert_element_type3A_18, %lt3A : vector<2048x1024xf32>
    %jit3A = arith.constant 0xFF800000 : f32
    %broadcast_in_dim3A_22 = vector.broadcast %jit3A : f32 to vector<2048x1024xf32>
    %select_n3A = arith.select %lt3A_21, %dot_general3A_15, %broadcast_in_dim3A_22 : vector<2048x1024xi1>, vector<2048x1024xf32>
    %get3A_23 = arith.constant 0 : index
    %get3A_24 = arith.constant 0 : index
    %get3A_25 = vector.load %arg6[%get3A_23, %get3A_24] : memref<1x1024xf32, #tpu.memory_space<vmem>>, vector<1x1024xf32>
    %get3A_26 = arith.constant 0 : index
    %get3A_27 = arith.constant 0 : index
    %get3A_28 = vector.load %arg7[%get3A_26, %get3A_27] : memref<1x1024xf32, #tpu.memory_space<vmem>>, vector<1x1024xf32>
    %get3A_29 = arith.constant 0 : index
    %get3A_30 = arith.constant 0 : index
    %get3A_31 = vector.load %arg8[%get3A_29, %get3A_30] : memref<1x1024xf32, #tpu.memory_space<vmem>>, vector<1x1024xf32>
    %get3A_32 = arith.constant 0 : index
    %get3A_33 = arith.constant 0 : index
    %get3A_34 = vector.load %arg9[%get3A_32, %get3A_33] : memref<1x1024xf32, #tpu.memory_space<vmem>>, vector<1x1024xf32>
    %get3A_35 = arith.constant 0 : index
    %get3A_36 = arith.constant 0 : index
    %get3A_37 = vector.load %arg10[%get3A_35, %get3A_36] : memref<1x1024xf32, #tpu.memory_space<vmem>>, vector<1x1024xf32>
    %get3A_38 = arith.constant 0 : index
    %get3A_39 = arith.constant 0 : index
    %get3A_40 = vector.load %arg11[%get3A_38, %get3A_39] : memref<1x1024xi32, #tpu.memory_space<vmem>>, vector<1x1024xi32>
    %get3A_41 = arith.constant 0 : index
    %get3A_42 = arith.constant 0 : index
    %get3A_43 = vector.load %arg12[%get3A_41, %get3A_42] : memref<1x1024xi32, #tpu.memory_space<vmem>>, vector<1x1024xi32>
    %get3A_44 = arith.constant 0 : index
    %get3A_45 = arith.constant 0 : index
    %get3A_46 = vector.load %arg13[%get3A_44, %get3A_45] : memref<1x1024xi32, #tpu.memory_space<vmem>>, vector<1x1024xi32>
    %get3A_47 = arith.constant 0 : index
    %get3A_48 = arith.constant 0 : index
    %get3A_49 = vector.load %arg14[%get3A_47, %get3A_48] : memref<1x1024xi32, #tpu.memory_space<vmem>>, vector<1x1024xi32>
    %get3A_50 = arith.constant 0 : index
    %get3A_51 = arith.constant 0 : index
    %get3A_52 = vector.load %arg15[%get3A_50, %get3A_51] : memref<1x1024xi32, #tpu.memory_space<vmem>>, vector<1x1024xi32>
    %reduce_max3A = arith.constant dense<0xFF800000> : vector<1024xf32>
    %reduce_max3A_53 = vector.multi_reduction <maximumf>, %select_n3A, %reduce_max3A [0] : vector<2048x1024xf32> to vector<1024xf32>
    %broadcast_in_dim3A_54 = vector.shape_cast %reduce_max3A_53 : vector<1024xf32> to vector<1x1024xf32>
    %eq3A_55 = vector.broadcast %broadcast_in_dim3A_54 : vector<1x1024xf32> to vector<2048x1024xf32>
    %eq3A_56 = arith.cmpf oeq, %select_n3A, %eq3A_55 : vector<2048x1024xf32>
    %jit3A_57 = arith.constant 0x7F800000 : f32
    %broadcast_in_dim3A_58 = vector.broadcast %jit3A_57 : f32 to vector<2048x1024xf32>
    %select_n3A_59 = arith.select %eq3A_56, %convert_element_type3A_18, %broadcast_in_dim3A_58 : vector<2048x1024xi1>, vector<2048x1024xf32>
    %reduce_min3A = arith.constant dense<0x7F800000> : vector<1024xf32>
    %reduce_min3A_60 = vector.multi_reduction <minimumf>, %select_n3A_59, %reduce_min3A [0] : vector<2048x1024xf32> to vector<1024xf32>
    %broadcast_in_dim3A_61 = vector.shape_cast %reduce_min3A_60 : vector<1024xf32> to vector<1x1024xf32>
    %eq3A_62 = vector.broadcast %broadcast_in_dim3A_61 : vector<1x1024xf32> to vector<2048x1024xf32>
    %eq3A_63 = arith.cmpf oeq, %convert_element_type3A_18, %eq3A_62 : vector<2048x1024xf32>
    %jit3A_64 = arith.constant 0xFF800000 : f32
    %broadcast_in_dim3A_65 = vector.broadcast %jit3A_64 : f32 to vector<2048x1024xf32>
    %select_n3A_66 = arith.select %eq3A_63, %broadcast_in_dim3A_65, %select_n3A : vector<2048x1024xi1>, vector<2048x1024xf32>
    %convert_element_type3A_67 = arith.fptosi %broadcast_in_dim3A_61 : vector<1x1024xf32> to vector<1x1024xi32>
    %add3A_68 = vector.broadcast %mul3A_17 : i32 to vector<1x1024xi32>
    %add3A_69 = arith.addi %convert_element_type3A_67, %add3A_68 : vector<1x1024xi32>
    %gt3A = arith.cmpf ogt, %broadcast_in_dim3A_54, %get3A_25 : vector<1x1024xf32>
    %eq3A_70 = arith.cmpf oeq, %broadcast_in_dim3A_54, %get3A_25 : vector<1x1024xf32>
    %lt3A_71 = arith.cmpi slt, %add3A_69, %get3A_40 : vector<1x1024xi32>
    %and3A = arith.andi %eq3A_70, %lt3A_71 : vector<1x1024xi1>
    %or3A = arith.ori %gt3A, %and3A : vector<1x1024xi1>
    %select_n3A_72 = arith.select %or3A, %broadcast_in_dim3A_54, %get3A_25 : vector<1x1024xi1>, vector<1x1024xf32>
    %select_n3A_73 = arith.select %or3A, %get3A_25, %broadcast_in_dim3A_54 : vector<1x1024xi1>, vector<1x1024xf32>
    %select_n3A_74 = arith.select %or3A, %add3A_69, %get3A_40 : vector<1x1024xi1>, vector<1x1024xi32>
    %select_n3A_75 = arith.select %or3A, %get3A_40, %add3A_69 : vector<1x1024xi1>, vector<1x1024xi32>
    %gt3A_76 = arith.cmpf ogt, %select_n3A_73, %get3A_28 : vector<1x1024xf32>
    %eq3A_77 = arith.cmpf oeq, %select_n3A_73, %get3A_28 : vector<1x1024xf32>
    %lt3A_78 = arith.cmpi slt, %select_n3A_75, %get3A_43 : vector<1x1024xi32>
    %and3A_79 = arith.andi %eq3A_77, %lt3A_78 : vector<1x1024xi1>
    %or3A_80 = arith.ori %gt3A_76, %and3A_79 : vector<1x1024xi1>
    %select_n3A_81 = arith.select %or3A_80, %select_n3A_73, %get3A_28 : vector<1x1024xi1>, vector<1x1024xf32>
    %select_n3A_82 = arith.select %or3A_80, %get3A_28, %select_n3A_73 : vector<1x1024xi1>, vector<1x1024xf32>
    %select_n3A_83 = arith.select %or3A_80, %select_n3A_75, %get3A_43 : vector<1x1024xi1>, vector<1x1024xi32>
    %select_n3A_84 = arith.select %or3A_80, %get3A_43, %select_n3A_75 : vector<1x1024xi1>, vector<1x1024xi32>
    %gt3A_85 = arith.cmpf ogt, %select_n3A_82, %get3A_31 : vector<1x1024xf32>
    %eq3A_86 = arith.cmpf oeq, %select_n3A_82, %get3A_31 : vector<1x1024xf32>
    %lt3A_87 = arith.cmpi slt, %select_n3A_84, %get3A_46 : vector<1x1024xi32>
    %and3A_88 = arith.andi %eq3A_86, %lt3A_87 : vector<1x1024xi1>
    %or3A_89 = arith.ori %gt3A_85, %and3A_88 : vector<1x1024xi1>
    %select_n3A_90 = arith.select %or3A_89, %select_n3A_82, %get3A_31 : vector<1x1024xi1>, vector<1x1024xf32>
    %select_n3A_91 = arith.select %or3A_89, %get3A_31, %select_n3A_82 : vector<1x1024xi1>, vector<1x1024xf32>
    %select_n3A_92 = arith.select %or3A_89, %select_n3A_84, %get3A_46 : vector<1x1024xi1>, vector<1x1024xi32>
    %select_n3A_93 = arith.select %or3A_89, %get3A_46, %select_n3A_84 : vector<1x1024xi1>, vector<1x1024xi32>
    %gt3A_94 = arith.cmpf ogt, %select_n3A_91, %get3A_34 : vector<1x1024xf32>
    %eq3A_95 = arith.cmpf oeq, %select_n3A_91, %get3A_34 : vector<1x1024xf32>
    %lt3A_96 = arith.cmpi slt, %select_n3A_93, %get3A_49 : vector<1x1024xi32>
    %and3A_97 = arith.andi %eq3A_95, %lt3A_96 : vector<1x1024xi1>
    %or3A_98 = arith.ori %gt3A_94, %and3A_97 : vector<1x1024xi1>
    %select_n3A_99 = arith.select %or3A_98, %select_n3A_91, %get3A_34 : vector<1x1024xi1>, vector<1x1024xf32>
    %select_n3A_100 = arith.select %or3A_98, %get3A_34, %select_n3A_91 : vector<1x1024xi1>, vector<1x1024xf32>
    %select_n3A_101 = arith.select %or3A_98, %select_n3A_93, %get3A_49 : vector<1x1024xi1>, vector<1x1024xi32>
    %select_n3A_102 = arith.select %or3A_98, %get3A_49, %select_n3A_93 : vector<1x1024xi1>, vector<1x1024xi32>
    %gt3A_103 = arith.cmpf ogt, %select_n3A_100, %get3A_37 : vector<1x1024xf32>
    %eq3A_104 = arith.cmpf oeq, %select_n3A_100, %get3A_37 : vector<1x1024xf32>
    %lt3A_105 = arith.cmpi slt, %select_n3A_102, %get3A_52 : vector<1x1024xi32>
    %and3A_106 = arith.andi %eq3A_104, %lt3A_105 : vector<1x1024xi1>
    %or3A_107 = arith.ori %gt3A_103, %and3A_106 : vector<1x1024xi1>
    %select_n3A_108 = arith.select %or3A_107, %select_n3A_100, %get3A_37 : vector<1x1024xi1>, vector<1x1024xf32>
    %select_n3A_109 = arith.select %or3A_107, %select_n3A_102, %get3A_52 : vector<1x1024xi1>, vector<1x1024xi32>
    %reduce_max3A_110 = arith.constant dense<0xFF800000> : vector<1024xf32>
    %reduce_max3A_111 = vector.multi_reduction <maximumf>, %select_n3A_66, %reduce_max3A_110 [0] : vector<2048x1024xf32> to vector<1024xf32>
    %broadcast_in_dim3A_112 = vector.shape_cast %reduce_max3A_111 : vector<1024xf32> to vector<1x1024xf32>
    %eq3A_113 = vector.broadcast %broadcast_in_dim3A_112 : vector<1x1024xf32> to vector<2048x1024xf32>
    %eq3A_114 = arith.cmpf oeq, %select_n3A_66, %eq3A_113 : vector<2048x1024xf32>
    %jit3A_115 = arith.constant 0x7F800000 : f32
    %broadcast_in_dim3A_116 = vector.broadcast %jit3A_115 : f32 to vector<2048x1024xf32>
    %select_n3A_117 = arith.select %eq3A_114, %convert_element_type3A_18, %broadcast_in_dim3A_116 : vector<2048x1024xi1>, vector<2048x1024xf32>
    %reduce_min3A_118 = arith.constant dense<0x7F800000> : vector<1024xf32>
    %reduce_min3A_119 = vector.multi_reduction <minimumf>, %select_n3A_117, %reduce_min3A_118 [0] : vector<2048x1024xf32> to vector<1024xf32>
    %broadcast_in_dim3A_120 = vector.shape_cast %reduce_min3A_119 : vector<1024xf32> to vector<1x1024xf32>
    %eq3A_121 = vector.broadcast %broadcast_in_dim3A_120 : vector<1x1024xf32> to vector<2048x1024xf32>
    %eq3A_122 = arith.cmpf oeq, %convert_element_type3A_18, %eq3A_121 : vector<2048x1024xf32>
    %jit3A_123 = arith.constant 0xFF800000 : f32
    %broadcast_in_dim3A_124 = vector.broadcast %jit3A_123 : f32 to vector<2048x1024xf32>
    %select_n3A_125 = arith.select %eq3A_122, %broadcast_in_dim3A_124, %select_n3A_66 : vector<2048x1024xi1>, vector<2048x1024xf32>
    %convert_element_type3A_126 = arith.fptosi %broadcast_in_dim3A_120 : vector<1x1024xf32> to vector<1x1024xi32>
    %add3A_127 = vector.broadcast %mul3A_17 : i32 to vector<1x1024xi32>
    %add3A_128 = arith.addi %convert_element_type3A_126, %add3A_127 : vector<1x1024xi32>
    %gt3A_129 = arith.cmpf ogt, %broadcast_in_dim3A_112, %select_n3A_72 : vector<1x1024xf32>
    %eq3A_130 = arith.cmpf oeq, %broadcast_in_dim3A_112, %select_n3A_72 : vector<1x1024xf32>
    %lt3A_131 = arith.cmpi slt, %add3A_128, %select_n3A_74 : vector<1x1024xi32>
    %and3A_132 = arith.andi %eq3A_130, %lt3A_131 : vector<1x1024xi1>
    %or3A_133 = arith.ori %gt3A_129, %and3A_132 : vector<1x1024xi1>
    %select_n3A_134 = arith.select %or3A_133, %broadcast_in_dim3A_112, %select_n3A_72 : vector<1x1024xi1>, vector<1x1024xf32>
    %select_n3A_135 = arith.select %or3A_133, %select_n3A_72, %broadcast_in_dim3A_112 : vector<1x1024xi1>, vector<1x1024xf32>
    %select_n3A_136 = arith.select %or3A_133, %add3A_128, %select_n3A_74 : vector<1x1024xi1>, vector<1x1024xi32>
    %select_n3A_137 = arith.select %or3A_133, %select_n3A_74, %add3A_128 : vector<1x1024xi1>, vector<1x1024xi32>
    %gt3A_138 = arith.cmpf ogt, %select_n3A_135, %select_n3A_81 : vector<1x1024xf32>
    %eq3A_139 = arith.cmpf oeq, %select_n3A_135, %select_n3A_81 : vector<1x1024xf32>
    %lt3A_140 = arith.cmpi slt, %select_n3A_137, %select_n3A_83 : vector<1x1024xi32>
    %and3A_141 = arith.andi %eq3A_139, %lt3A_140 : vector<1x1024xi1>
    %or3A_142 = arith.ori %gt3A_138, %and3A_141 : vector<1x1024xi1>
    %select_n3A_143 = arith.select %or3A_142, %select_n3A_135, %select_n3A_81 : vector<1x1024xi1>, vector<1x1024xf32>
    %select_n3A_144 = arith.select %or3A_142, %select_n3A_81, %select_n3A_135 : vector<1x1024xi1>, vector<1x1024xf32>
    %select_n3A_145 = arith.select %or3A_142, %select_n3A_137, %select_n3A_83 : vector<1x1024xi1>, vector<1x1024xi32>
    %select_n3A_146 = arith.select %or3A_142, %select_n3A_83, %select_n3A_137 : vector<1x1024xi1>, vector<1x1024xi32>
    %gt3A_147 = arith.cmpf ogt, %select_n3A_144, %select_n3A_90 : vector<1x1024xf32>
    %eq3A_148 = arith.cmpf oeq, %select_n3A_144, %select_n3A_90 : vector<1x1024xf32>
    %lt3A_149 = arith.cmpi slt, %select_n3A_146, %select_n3A_92 : vector<1x1024xi32>
    %and3A_150 = arith.andi %eq3A_148, %lt3A_149 : vector<1x1024xi1>
    %or3A_151 = arith.ori %gt3A_147, %and3A_150 : vector<1x1024xi1>
    %select_n3A_152 = arith.select %or3A_151, %select_n3A_144, %select_n3A_90 : vector<1x1024xi1>, vector<1x1024xf32>
    %select_n3A_153 = arith.select %or3A_151, %select_n3A_90, %select_n3A_144 : vector<1x1024xi1>, vector<1x1024xf32>
    %select_n3A_154 = arith.select %or3A_151, %select_n3A_146, %select_n3A_92 : vector<1x1024xi1>, vector<1x1024xi32>
    %select_n3A_155 = arith.select %or3A_151, %select_n3A_92, %select_n3A_146 : vector<1x1024xi1>, vector<1x1024xi32>
    %gt3A_156 = arith.cmpf ogt, %select_n3A_153, %select_n3A_99 : vector<1x1024xf32>
    %eq3A_157 = arith.cmpf oeq, %select_n3A_153, %select_n3A_99 : vector<1x1024xf32>
    %lt3A_158 = arith.cmpi slt, %select_n3A_155, %select_n3A_101 : vector<1x1024xi32>
    %and3A_159 = arith.andi %eq3A_157, %lt3A_158 : vector<1x1024xi1>
    %or3A_160 = arith.ori %gt3A_156, %and3A_159 : vector<1x1024xi1>
    %select_n3A_161 = arith.select %or3A_160, %select_n3A_153, %select_n3A_99 : vector<1x1024xi1>, vector<1x1024xf32>
    %select_n3A_162 = arith.select %or3A_160, %select_n3A_99, %select_n3A_153 : vector<1x1024xi1>, vector<1x1024xf32>
    %select_n3A_163 = arith.select %or3A_160, %select_n3A_155, %select_n3A_101 : vector<1x1024xi1>, vector<1x1024xi32>
    %select_n3A_164 = arith.select %or3A_160, %select_n3A_101, %select_n3A_155 : vector<1x1024xi1>, vector<1x1024xi32>
    %gt3A_165 = arith.cmpf ogt, %select_n3A_162, %select_n3A_108 : vector<1x1024xf32>
    %eq3A_166 = arith.cmpf oeq, %select_n3A_162, %select_n3A_108 : vector<1x1024xf32>
    %lt3A_167 = arith.cmpi slt, %select_n3A_164, %select_n3A_109 : vector<1x1024xi32>
    %and3A_168 = arith.andi %eq3A_166, %lt3A_167 : vector<1x1024xi1>
    %or3A_169 = arith.ori %gt3A_165, %and3A_168 : vector<1x1024xi1>
    %select_n3A_170 = arith.select %or3A_169, %select_n3A_162, %select_n3A_108 : vector<1x1024xi1>, vector<1x1024xf32>
    %select_n3A_171 = arith.select %or3A_169, %select_n3A_164, %select_n3A_109 : vector<1x1024xi1>, vector<1x1024xi32>
    %reduce_max3A_172 = arith.constant dense<0xFF800000> : vector<1024xf32>
    %reduce_max3A_173 = vector.multi_reduction <maximumf>, %select_n3A_125, %reduce_max3A_172 [0] : vector<2048x1024xf32> to vector<1024xf32>
    %broadcast_in_dim3A_174 = vector.shape_cast %reduce_max3A_173 : vector<1024xf32> to vector<1x1024xf32>
    %eq3A_175 = vector.broadcast %broadcast_in_dim3A_174 : vector<1x1024xf32> to vector<2048x1024xf32>
    %eq3A_176 = arith.cmpf oeq, %select_n3A_125, %eq3A_175 : vector<2048x1024xf32>
    %jit3A_177 = arith.constant 0x7F800000 : f32
    %broadcast_in_dim3A_178 = vector.broadcast %jit3A_177 : f32 to vector<2048x1024xf32>
    %select_n3A_179 = arith.select %eq3A_176, %convert_element_type3A_18, %broadcast_in_dim3A_178 : vector<2048x1024xi1>, vector<2048x1024xf32>
    %reduce_min3A_180 = arith.constant dense<0x7F800000> : vector<1024xf32>
    %reduce_min3A_181 = vector.multi_reduction <minimumf>, %select_n3A_179, %reduce_min3A_180 [0] : vector<2048x1024xf32> to vector<1024xf32>
    %broadcast_in_dim3A_182 = vector.shape_cast %reduce_min3A_181 : vector<1024xf32> to vector<1x1024xf32>
    %eq3A_183 = vector.broadcast %broadcast_in_dim3A_182 : vector<1x1024xf32> to vector<2048x1024xf32>
    %eq3A_184 = arith.cmpf oeq, %convert_element_type3A_18, %eq3A_183 : vector<2048x1024xf32>
    %jit3A_185 = arith.constant 0xFF800000 : f32
    %broadcast_in_dim3A_186 = vector.broadcast %jit3A_185 : f32 to vector<2048x1024xf32>
    %select_n3A_187 = arith.select %eq3A_184, %broadcast_in_dim3A_186, %select_n3A_125 : vector<2048x1024xi1>, vector<2048x1024xf32>
    %convert_element_type3A_188 = arith.fptosi %broadcast_in_dim3A_182 : vector<1x1024xf32> to vector<1x1024xi32>
    %add3A_189 = vector.broadcast %mul3A_17 : i32 to vector<1x1024xi32>
    %add3A_190 = arith.addi %convert_element_type3A_188, %add3A_189 : vector<1x1024xi32>
    %gt3A_191 = arith.cmpf ogt, %broadcast_in_dim3A_174, %select_n3A_134 : vector<1x1024xf32>
    %eq3A_192 = arith.cmpf oeq, %broadcast_in_dim3A_174, %select_n3A_134 : vector<1x1024xf32>
    %lt3A_193 = arith.cmpi slt, %add3A_190, %select_n3A_136 : vector<1x1024xi32>
    %and3A_194 = arith.andi %eq3A_192, %lt3A_193 : vector<1x1024xi1>
    %or3A_195 = arith.ori %gt3A_191, %and3A_194 : vector<1x1024xi1>
    %select_n3A_196 = arith.select %or3A_195, %broadcast_in_dim3A_174, %select_n3A_134 : vector<1x1024xi1>, vector<1x1024xf32>
    %select_n3A_197 = arith.select %or3A_195, %select_n3A_134, %broadcast_in_dim3A_174 : vector<1x1024xi1>, vector<1x1024xf32>
    %select_n3A_198 = arith.select %or3A_195, %add3A_190, %select_n3A_136 : vector<1x1024xi1>, vector<1x1024xi32>
    %select_n3A_199 = arith.select %or3A_195, %select_n3A_136, %add3A_190 : vector<1x1024xi1>, vector<1x1024xi32>
    %gt3A_200 = arith.cmpf ogt, %select_n3A_197, %select_n3A_143 : vector<1x1024xf32>
    %eq3A_201 = arith.cmpf oeq, %select_n3A_197, %select_n3A_143 : vector<1x1024xf32>
    %lt3A_202 = arith.cmpi slt, %select_n3A_199, %select_n3A_145 : vector<1x1024xi32>
    %and3A_203 = arith.andi %eq3A_201, %lt3A_202 : vector<1x1024xi1>
    %or3A_204 = arith.ori %gt3A_200, %and3A_203 : vector<1x1024xi1>
    %select_n3A_205 = arith.select %or3A_204, %select_n3A_197, %select_n3A_143 : vector<1x1024xi1>, vector<1x1024xf32>
    %select_n3A_206 = arith.select %or3A_204, %select_n3A_143, %select_n3A_197 : vector<1x1024xi1>, vector<1x1024xf32>
    %select_n3A_207 = arith.select %or3A_204, %select_n3A_199, %select_n3A_145 : vector<1x1024xi1>, vector<1x1024xi32>
    %select_n3A_208 = arith.select %or3A_204, %select_n3A_145, %select_n3A_199 : vector<1x1024xi1>, vector<1x1024xi32>
    %gt3A_209 = arith.cmpf ogt, %select_n3A_206, %select_n3A_152 : vector<1x1024xf32>
    %eq3A_210 = arith.cmpf oeq, %select_n3A_206, %select_n3A_152 : vector<1x1024xf32>
    %lt3A_211 = arith.cmpi slt, %select_n3A_208, %select_n3A_154 : vector<1x1024xi32>
    %and3A_212 = arith.andi %eq3A_210, %lt3A_211 : vector<1x1024xi1>
    %or3A_213 = arith.ori %gt3A_209, %and3A_212 : vector<1x1024xi1>
    %select_n3A_214 = arith.select %or3A_213, %select_n3A_206, %select_n3A_152 : vector<1x1024xi1>, vector<1x1024xf32>
    %select_n3A_215 = arith.select %or3A_213, %select_n3A_152, %select_n3A_206 : vector<1x1024xi1>, vector<1x1024xf32>
    %select_n3A_216 = arith.select %or3A_213, %select_n3A_208, %select_n3A_154 : vector<1x1024xi1>, vector<1x1024xi32>
    %select_n3A_217 = arith.select %or3A_213, %select_n3A_154, %select_n3A_208 : vector<1x1024xi1>, vector<1x1024xi32>
    %gt3A_218 = arith.cmpf ogt, %select_n3A_215, %select_n3A_161 : vector<1x1024xf32>
    %eq3A_219 = arith.cmpf oeq, %select_n3A_215, %select_n3A_161 : vector<1x1024xf32>
    %lt3A_220 = arith.cmpi slt, %select_n3A_217, %select_n3A_163 : vector<1x1024xi32>
    %and3A_221 = arith.andi %eq3A_219, %lt3A_220 : vector<1x1024xi1>
    %or3A_222 = arith.ori %gt3A_218, %and3A_221 : vector<1x1024xi1>
    %select_n3A_223 = arith.select %or3A_222, %select_n3A_215, %select_n3A_161 : vector<1x1024xi1>, vector<1x1024xf32>
    %select_n3A_224 = arith.select %or3A_222, %select_n3A_161, %select_n3A_215 : vector<1x1024xi1>, vector<1x1024xf32>
    %select_n3A_225 = arith.select %or3A_222, %select_n3A_217, %select_n3A_163 : vector<1x1024xi1>, vector<1x1024xi32>
    %select_n3A_226 = arith.select %or3A_222, %select_n3A_163, %select_n3A_217 : vector<1x1024xi1>, vector<1x1024xi32>
    %gt3A_227 = arith.cmpf ogt, %select_n3A_224, %select_n3A_170 : vector<1x1024xf32>
    %eq3A_228 = arith.cmpf oeq, %select_n3A_224, %select_n3A_170 : vector<1x1024xf32>
    %lt3A_229 = arith.cmpi slt, %select_n3A_226, %select_n3A_171 : vector<1x1024xi32>
    %and3A_230 = arith.andi %eq3A_228, %lt3A_229 : vector<1x1024xi1>
    %or3A_231 = arith.ori %gt3A_227, %and3A_230 : vector<1x1024xi1>
    %select_n3A_232 = arith.select %or3A_231, %select_n3A_224, %select_n3A_170 : vector<1x1024xi1>, vector<1x1024xf32>
    %select_n3A_233 = arith.select %or3A_231, %select_n3A_226, %select_n3A_171 : vector<1x1024xi1>, vector<1x1024xi32>
    %reduce_max3A_234 = arith.constant dense<0xFF800000> : vector<1024xf32>
    %reduce_max3A_235 = vector.multi_reduction <maximumf>, %select_n3A_187, %reduce_max3A_234 [0] : vector<2048x1024xf32> to vector<1024xf32>
    %broadcast_in_dim3A_236 = vector.shape_cast %reduce_max3A_235 : vector<1024xf32> to vector<1x1024xf32>
    %eq3A_237 = vector.broadcast %broadcast_in_dim3A_236 : vector<1x1024xf32> to vector<2048x1024xf32>
    %eq3A_238 = arith.cmpf oeq, %select_n3A_187, %eq3A_237 : vector<2048x1024xf32>
    %jit3A_239 = arith.constant 0x7F800000 : f32
    %broadcast_in_dim3A_240 = vector.broadcast %jit3A_239 : f32 to vector<2048x1024xf32>
    %select_n3A_241 = arith.select %eq3A_238, %convert_element_type3A_18, %broadcast_in_dim3A_240 : vector<2048x1024xi1>, vector<2048x1024xf32>
    %reduce_min3A_242 = arith.constant dense<0x7F800000> : vector<1024xf32>
    %reduce_min3A_243 = vector.multi_reduction <minimumf>, %select_n3A_241, %reduce_min3A_242 [0] : vector<2048x1024xf32> to vector<1024xf32>
    %broadcast_in_dim3A_244 = vector.shape_cast %reduce_min3A_243 : vector<1024xf32> to vector<1x1024xf32>
    %eq3A_245 = vector.broadcast %broadcast_in_dim3A_244 : vector<1x1024xf32> to vector<2048x1024xf32>
    %eq3A_246 = arith.cmpf oeq, %convert_element_type3A_18, %eq3A_245 : vector<2048x1024xf32>
    %jit3A_247 = arith.constant 0xFF800000 : f32
    %broadcast_in_dim3A_248 = vector.broadcast %jit3A_247 : f32 to vector<2048x1024xf32>
    %select_n3A_249 = arith.select %eq3A_246, %broadcast_in_dim3A_248, %select_n3A_187 : vector<2048x1024xi1>, vector<2048x1024xf32>
    %convert_element_type3A_250 = arith.fptosi %broadcast_in_dim3A_244 : vector<1x1024xf32> to vector<1x1024xi32>
    %add3A_251 = vector.broadcast %mul3A_17 : i32 to vector<1x1024xi32>
    %add3A_252 = arith.addi %convert_element_type3A_250, %add3A_251 : vector<1x1024xi32>
    %gt3A_253 = arith.cmpf ogt, %broadcast_in_dim3A_236, %select_n3A_196 : vector<1x1024xf32>
    %eq3A_254 = arith.cmpf oeq, %broadcast_in_dim3A_236, %select_n3A_196 : vector<1x1024xf32>
    %lt3A_255 = arith.cmpi slt, %add3A_252, %select_n3A_198 : vector<1x1024xi32>
    %and3A_256 = arith.andi %eq3A_254, %lt3A_255 : vector<1x1024xi1>
    %or3A_257 = arith.ori %gt3A_253, %and3A_256 : vector<1x1024xi1>
    %select_n3A_258 = arith.select %or3A_257, %broadcast_in_dim3A_236, %select_n3A_196 : vector<1x1024xi1>, vector<1x1024xf32>
    %select_n3A_259 = arith.select %or3A_257, %select_n3A_196, %broadcast_in_dim3A_236 : vector<1x1024xi1>, vector<1x1024xf32>
    %select_n3A_260 = arith.select %or3A_257, %add3A_252, %select_n3A_198 : vector<1x1024xi1>, vector<1x1024xi32>
    %select_n3A_261 = arith.select %or3A_257, %select_n3A_198, %add3A_252 : vector<1x1024xi1>, vector<1x1024xi32>
    %gt3A_262 = arith.cmpf ogt, %select_n3A_259, %select_n3A_205 : vector<1x1024xf32>
    %eq3A_263 = arith.cmpf oeq, %select_n3A_259, %select_n3A_205 : vector<1x1024xf32>
    %lt3A_264 = arith.cmpi slt, %select_n3A_261, %select_n3A_207 : vector<1x1024xi32>
    %and3A_265 = arith.andi %eq3A_263, %lt3A_264 : vector<1x1024xi1>
    %or3A_266 = arith.ori %gt3A_262, %and3A_265 : vector<1x1024xi1>
    %select_n3A_267 = arith.select %or3A_266, %select_n3A_259, %select_n3A_205 : vector<1x1024xi1>, vector<1x1024xf32>
    %select_n3A_268 = arith.select %or3A_266, %select_n3A_205, %select_n3A_259 : vector<1x1024xi1>, vector<1x1024xf32>
    %select_n3A_269 = arith.select %or3A_266, %select_n3A_261, %select_n3A_207 : vector<1x1024xi1>, vector<1x1024xi32>
    %select_n3A_270 = arith.select %or3A_266, %select_n3A_207, %select_n3A_261 : vector<1x1024xi1>, vector<1x1024xi32>
    %gt3A_271 = arith.cmpf ogt, %select_n3A_268, %select_n3A_214 : vector<1x1024xf32>
    %eq3A_272 = arith.cmpf oeq, %select_n3A_268, %select_n3A_214 : vector<1x1024xf32>
    %lt3A_273 = arith.cmpi slt, %select_n3A_270, %select_n3A_216 : vector<1x1024xi32>
    %and3A_274 = arith.andi %eq3A_272, %lt3A_273 : vector<1x1024xi1>
    %or3A_275 = arith.ori %gt3A_271, %and3A_274 : vector<1x1024xi1>
    %select_n3A_276 = arith.select %or3A_275, %select_n3A_268, %select_n3A_214 : vector<1x1024xi1>, vector<1x1024xf32>
    %select_n3A_277 = arith.select %or3A_275, %select_n3A_214, %select_n3A_268 : vector<1x1024xi1>, vector<1x1024xf32>
    %select_n3A_278 = arith.select %or3A_275, %select_n3A_270, %select_n3A_216 : vector<1x1024xi1>, vector<1x1024xi32>
    %select_n3A_279 = arith.select %or3A_275, %select_n3A_216, %select_n3A_270 : vector<1x1024xi1>, vector<1x1024xi32>
    %gt3A_280 = arith.cmpf ogt, %select_n3A_277, %select_n3A_223 : vector<1x1024xf32>
    %eq3A_281 = arith.cmpf oeq, %select_n3A_277, %select_n3A_223 : vector<1x1024xf32>
    %lt3A_282 = arith.cmpi slt, %select_n3A_279, %select_n3A_225 : vector<1x1024xi32>
    %and3A_283 = arith.andi %eq3A_281, %lt3A_282 : vector<1x1024xi1>
    %or3A_284 = arith.ori %gt3A_280, %and3A_283 : vector<1x1024xi1>
    %select_n3A_285 = arith.select %or3A_284, %select_n3A_277, %select_n3A_223 : vector<1x1024xi1>, vector<1x1024xf32>
    %select_n3A_286 = arith.select %or3A_284, %select_n3A_223, %select_n3A_277 : vector<1x1024xi1>, vector<1x1024xf32>
    %select_n3A_287 = arith.select %or3A_284, %select_n3A_279, %select_n3A_225 : vector<1x1024xi1>, vector<1x1024xi32>
    %select_n3A_288 = arith.select %or3A_284, %select_n3A_225, %select_n3A_279 : vector<1x1024xi1>, vector<1x1024xi32>
    %gt3A_289 = arith.cmpf ogt, %select_n3A_286, %select_n3A_232 : vector<1x1024xf32>
    %eq3A_290 = arith.cmpf oeq, %select_n3A_286, %select_n3A_232 : vector<1x1024xf32>
    %lt3A_291 = arith.cmpi slt, %select_n3A_288, %select_n3A_233 : vector<1x1024xi32>
    %and3A_292 = arith.andi %eq3A_290, %lt3A_291 : vector<1x1024xi1>
    %or3A_293 = arith.ori %gt3A_289, %and3A_292 : vector<1x1024xi1>
    %select_n3A_294 = arith.select %or3A_293, %select_n3A_286, %select_n3A_232 : vector<1x1024xi1>, vector<1x1024xf32>
    %select_n3A_295 = arith.select %or3A_293, %select_n3A_288, %select_n3A_233 : vector<1x1024xi1>, vector<1x1024xi32>
    %reduce_max3A_296 = arith.constant dense<0xFF800000> : vector<1024xf32>
    %reduce_max3A_297 = vector.multi_reduction <maximumf>, %select_n3A_249, %reduce_max3A_296 [0] : vector<2048x1024xf32> to vector<1024xf32>
    %broadcast_in_dim3A_298 = vector.shape_cast %reduce_max3A_297 : vector<1024xf32> to vector<1x1024xf32>
    %eq3A_299 = vector.broadcast %broadcast_in_dim3A_298 : vector<1x1024xf32> to vector<2048x1024xf32>
    %eq3A_300 = arith.cmpf oeq, %select_n3A_249, %eq3A_299 : vector<2048x1024xf32>
    %jit3A_301 = arith.constant 0x7F800000 : f32
    %broadcast_in_dim3A_302 = vector.broadcast %jit3A_301 : f32 to vector<2048x1024xf32>
    %select_n3A_303 = arith.select %eq3A_300, %convert_element_type3A_18, %broadcast_in_dim3A_302 : vector<2048x1024xi1>, vector<2048x1024xf32>
    %reduce_min3A_304 = arith.constant dense<0x7F800000> : vector<1024xf32>
    %reduce_min3A_305 = vector.multi_reduction <minimumf>, %select_n3A_303, %reduce_min3A_304 [0] : vector<2048x1024xf32> to vector<1024xf32>
    %broadcast_in_dim3A_306 = vector.shape_cast %reduce_min3A_305 : vector<1024xf32> to vector<1x1024xf32>
    %convert_element_type3A_307 = arith.fptosi %broadcast_in_dim3A_306 : vector<1x1024xf32> to vector<1x1024xi32>
    %add3A_308 = vector.broadcast %mul3A_17 : i32 to vector<1x1024xi32>
    %add3A_309 = arith.addi %convert_element_type3A_307, %add3A_308 : vector<1x1024xi32>
    %gt3A_310 = arith.cmpf ogt, %broadcast_in_dim3A_298, %select_n3A_258 : vector<1x1024xf32>
    %eq3A_311 = arith.cmpf oeq, %broadcast_in_dim3A_298, %select_n3A_258 : vector<1x1024xf32>
    %lt3A_312 = arith.cmpi slt, %add3A_309, %select_n3A_260 : vector<1x1024xi32>
    %and3A_313 = arith.andi %eq3A_311, %lt3A_312 : vector<1x1024xi1>
    %or3A_314 = arith.ori %gt3A_310, %and3A_313 : vector<1x1024xi1>
    %select_n3A_315 = arith.select %or3A_314, %broadcast_in_dim3A_298, %select_n3A_258 : vector<1x1024xi1>, vector<1x1024xf32>
    %select_n3A_316 = arith.select %or3A_314, %select_n3A_258, %broadcast_in_dim3A_298 : vector<1x1024xi1>, vector<1x1024xf32>
    %select_n3A_317 = arith.select %or3A_314, %add3A_309, %select_n3A_260 : vector<1x1024xi1>, vector<1x1024xi32>
    %select_n3A_318 = arith.select %or3A_314, %select_n3A_260, %add3A_309 : vector<1x1024xi1>, vector<1x1024xi32>
    %gt3A_319 = arith.cmpf ogt, %select_n3A_316, %select_n3A_267 : vector<1x1024xf32>
    %eq3A_320 = arith.cmpf oeq, %select_n3A_316, %select_n3A_267 : vector<1x1024xf32>
    %lt3A_321 = arith.cmpi slt, %select_n3A_318, %select_n3A_269 : vector<1x1024xi32>
    %and3A_322 = arith.andi %eq3A_320, %lt3A_321 : vector<1x1024xi1>
    %or3A_323 = arith.ori %gt3A_319, %and3A_322 : vector<1x1024xi1>
    %select_n3A_324 = arith.select %or3A_323, %select_n3A_316, %select_n3A_267 : vector<1x1024xi1>, vector<1x1024xf32>
    %select_n3A_325 = arith.select %or3A_323, %select_n3A_267, %select_n3A_316 : vector<1x1024xi1>, vector<1x1024xf32>
    %select_n3A_326 = arith.select %or3A_323, %select_n3A_318, %select_n3A_269 : vector<1x1024xi1>, vector<1x1024xi32>
    %select_n3A_327 = arith.select %or3A_323, %select_n3A_269, %select_n3A_318 : vector<1x1024xi1>, vector<1x1024xi32>
    %gt3A_328 = arith.cmpf ogt, %select_n3A_325, %select_n3A_276 : vector<1x1024xf32>
    %eq3A_329 = arith.cmpf oeq, %select_n3A_325, %select_n3A_276 : vector<1x1024xf32>
    %lt3A_330 = arith.cmpi slt, %select_n3A_327, %select_n3A_278 : vector<1x1024xi32>
    %and3A_331 = arith.andi %eq3A_329, %lt3A_330 : vector<1x1024xi1>
    %or3A_332 = arith.ori %gt3A_328, %and3A_331 : vector<1x1024xi1>
    %select_n3A_333 = arith.select %or3A_332, %select_n3A_325, %select_n3A_276 : vector<1x1024xi1>, vector<1x1024xf32>
    %select_n3A_334 = arith.select %or3A_332, %select_n3A_276, %select_n3A_325 : vector<1x1024xi1>, vector<1x1024xf32>
    %select_n3A_335 = arith.select %or3A_332, %select_n3A_327, %select_n3A_278 : vector<1x1024xi1>, vector<1x1024xi32>
    %select_n3A_336 = arith.select %or3A_332, %select_n3A_278, %select_n3A_327 : vector<1x1024xi1>, vector<1x1024xi32>
    %gt3A_337 = arith.cmpf ogt, %select_n3A_334, %select_n3A_285 : vector<1x1024xf32>
    %eq3A_338 = arith.cmpf oeq, %select_n3A_334, %select_n3A_285 : vector<1x1024xf32>
    %lt3A_339 = arith.cmpi slt, %select_n3A_336, %select_n3A_287 : vector<1x1024xi32>
    %and3A_340 = arith.andi %eq3A_338, %lt3A_339 : vector<1x1024xi1>
    %or3A_341 = arith.ori %gt3A_337, %and3A_340 : vector<1x1024xi1>
    %select_n3A_342 = arith.select %or3A_341, %select_n3A_334, %select_n3A_285 : vector<1x1024xi1>, vector<1x1024xf32>
    %select_n3A_343 = arith.select %or3A_341, %select_n3A_285, %select_n3A_334 : vector<1x1024xi1>, vector<1x1024xf32>
    %select_n3A_344 = arith.select %or3A_341, %select_n3A_336, %select_n3A_287 : vector<1x1024xi1>, vector<1x1024xi32>
    %select_n3A_345 = arith.select %or3A_341, %select_n3A_287, %select_n3A_336 : vector<1x1024xi1>, vector<1x1024xi32>
    %gt3A_346 = arith.cmpf ogt, %select_n3A_343, %select_n3A_294 : vector<1x1024xf32>
    %eq3A_347 = arith.cmpf oeq, %select_n3A_343, %select_n3A_294 : vector<1x1024xf32>
    %lt3A_348 = arith.cmpi slt, %select_n3A_345, %select_n3A_295 : vector<1x1024xi32>
    %and3A_349 = arith.andi %eq3A_347, %lt3A_348 : vector<1x1024xi1>
    %or3A_350 = arith.ori %gt3A_346, %and3A_349 : vector<1x1024xi1>
    %select_n3A_351 = arith.select %or3A_350, %select_n3A_343, %select_n3A_294 : vector<1x1024xi1>, vector<1x1024xf32>
    %select_n3A_352 = arith.select %or3A_350, %select_n3A_345, %select_n3A_295 : vector<1x1024xi1>, vector<1x1024xi32>
    %swap3A = arith.constant 0 : index
    %swap3A_353 = arith.constant 0 : index
    %swap3A_354 = vector.load %arg6[%swap3A, %swap3A_353] : memref<1x1024xf32, #tpu.memory_space<vmem>>, vector<1x1024xf32>
    tpu.vector_store %arg6[%swap3A, %swap3A_353], %select_n3A_315 {strides = array<i32>} : memref<1x1024xf32, #tpu.memory_space<vmem>>, vector<1x1024xf32>,
    %swap3A_355 = arith.constant 0 : index
    %swap3A_356 = arith.constant 0 : index
    %swap3A_357 = vector.load %arg11[%swap3A_355, %swap3A_356] : memref<1x1024xi32, #tpu.memory_space<vmem>>, vector<1x1024xi32>
    tpu.vector_store %arg11[%swap3A_355, %swap3A_356], %select_n3A_317 {strides = array<i32>} : memref<1x1024xi32, #tpu.memory_space<vmem>>, vector<1x1024xi32>,
    %swap3A_358 = arith.constant 0 : index
    %swap3A_359 = arith.constant 0 : index
    %swap3A_360 = vector.load %arg7[%swap3A_358, %swap3A_359] : memref<1x1024xf32, #tpu.memory_space<vmem>>, vector<1x1024xf32>
    tpu.vector_store %arg7[%swap3A_358, %swap3A_359], %select_n3A_324 {strides = array<i32>} : memref<1x1024xf32, #tpu.memory_space<vmem>>, vector<1x1024xf32>,
    %swap3A_361 = arith.constant 0 : index
    %swap3A_362 = arith.constant 0 : index
    %swap3A_363 = vector.load %arg12[%swap3A_361, %swap3A_362] : memref<1x1024xi32, #tpu.memory_space<vmem>>, vector<1x1024xi32>
    tpu.vector_store %arg12[%swap3A_361, %swap3A_362], %select_n3A_326 {strides = array<i32>} : memref<1x1024xi32, #tpu.memory_space<vmem>>, vector<1x1024xi32>,
    %swap3A_364 = arith.constant 0 : index
    %swap3A_365 = arith.constant 0 : index
    %swap3A_366 = vector.load %arg8[%swap3A_364, %swap3A_365] : memref<1x1024xf32, #tpu.memory_space<vmem>>, vector<1x1024xf32>
    tpu.vector_store %arg8[%swap3A_364, %swap3A_365], %select_n3A_333 {strides = array<i32>} : memref<1x1024xf32, #tpu.memory_space<vmem>>, vector<1x1024xf32>,
    %swap3A_367 = arith.constant 0 : index
    %swap3A_368 = arith.constant 0 : index
    %swap3A_369 = vector.load %arg13[%swap3A_367, %swap3A_368] : memref<1x1024xi32, #tpu.memory_space<vmem>>, vector<1x1024xi32>
    tpu.vector_store %arg13[%swap3A_367, %swap3A_368], %select_n3A_335 {strides = array<i32>} : memref<1x1024xi32, #tpu.memory_space<vmem>>, vector<1x1024xi32>,
    %swap3A_370 = arith.constant 0 : index
    %swap3A_371 = arith.constant 0 : index
    %swap3A_372 = vector.load %arg9[%swap3A_370, %swap3A_371] : memref<1x1024xf32, #tpu.memory_space<vmem>>, vector<1x1024xf32>
    tpu.vector_store %arg9[%swap3A_370, %swap3A_371], %select_n3A_342 {strides = array<i32>} : memref<1x1024xf32, #tpu.memory_space<vmem>>, vector<1x1024xf32>,
    %swap3A_373 = arith.constant 0 : index
    %swap3A_374 = arith.constant 0 : index
    %swap3A_375 = vector.load %arg14[%swap3A_373, %swap3A_374] : memref<1x1024xi32, #tpu.memory_space<vmem>>, vector<1x1024xi32>
    tpu.vector_store %arg14[%swap3A_373, %swap3A_374], %select_n3A_344 {strides = array<i32>} : memref<1x1024xi32, #tpu.memory_space<vmem>>, vector<1x1024xi32>,
    %swap3A_376 = arith.constant 0 : index
    %swap3A_377 = arith.constant 0 : index
    %swap3A_378 = vector.load %arg10[%swap3A_376, %swap3A_377] : memref<1x1024xf32, #tpu.memory_space<vmem>>, vector<1x1024xf32>
    tpu.vector_store %arg10[%swap3A_376, %swap3A_377], %select_n3A_351 {strides = array<i32>} : memref<1x1024xf32, #tpu.memory_space<vmem>>, vector<1x1024xf32>,
    %swap3A_379 = arith.constant 0 : index
    %swap3A_380 = arith.constant 0 : index
    %swap3A_381 = vector.load %arg15[%swap3A_379, %swap3A_380] : memref<1x1024xi32, #tpu.memory_space<vmem>>, vector<1x1024xi32>
    tpu.vector_store %arg15[%swap3A_379, %swap3A_380], %select_n3A_352 {strides = array<i32>} : memref<1x1024xi32, #tpu.memory_space<vmem>>, vector<1x1024xi32>,
    %eq3A_382 = arith.constant 48 : i32
    %eq3A_383 = arith.cmpi eq, %arg0, %eq3A_382 : i32
    %convert_element_type3A_384 = arith.extui %eq3A_383 : i1 to i32
    %cond3A_385 = arith.constant 0 : i32
    %cond3A_386 = arith.cmpi ne, %convert_element_type3A_384, %cond3A_385 : i32
    scf.if %cond3A_386 {
      %swap3A_387 = arith.constant 0 : index
      %swap3A_388 = arith.constant 0 : index
      %swap3A_389 = vector.load %arg3[%swap3A_387, %swap3A_388] : memref<5x1024xf32, #tpu.memory_space<vmem>>, vector<1x1024xf32>
      tpu.vector_store %arg3[%swap3A_387, %swap3A_388], %select_n3A_315 {strides = array<i32>} : memref<5x1024xf32, #tpu.memory_space<vmem>>, vector<1x1024xf32>,
      %swap3A_390 = arith.constant 0 : index
      %swap3A_391 = arith.constant 0 : index
      %swap3A_392 = vector.load %arg4[%swap3A_390, %swap3A_391] : memref<5x1024xi32, #tpu.memory_space<vmem>>, vector<1x1024xi32>
      tpu.vector_store %arg4[%swap3A_390, %swap3A_391], %select_n3A_317 {strides = array<i32>} : memref<5x1024xi32, #tpu.memory_space<vmem>>, vector<1x1024xi32>,
      %swap3A_393 = arith.constant 1 : index
      %swap3A_394 = arith.constant 0 : index
      %swap3A_395 = vector.load %arg3[%swap3A_393, %swap3A_394] : memref<5x1024xf32, #tpu.memory_space<vmem>>, vector<1x1024xf32>
      tpu.vector_store %arg3[%swap3A_393, %swap3A_394], %select_n3A_324 {strides = array<i32>} : memref<5x1024xf32, #tpu.memory_space<vmem>>, vector<1x1024xf32>,
      %swap3A_396 = arith.constant 1 : index
      %swap3A_397 = arith.constant 0 : index
      %swap3A_398 = vector.load %arg4[%swap3A_396, %swap3A_397] : memref<5x1024xi32, #tpu.memory_space<vmem>>, vector<1x1024xi32>
      tpu.vector_store %arg4[%swap3A_396, %swap3A_397], %select_n3A_326 {strides = array<i32>} : memref<5x1024xi32, #tpu.memory_space<vmem>>, vector<1x1024xi32>,
      %swap3A_399 = arith.constant 2 : index
      %swap3A_400 = arith.constant 0 : index
      %swap3A_401 = vector.load %arg3[%swap3A_399, %swap3A_400] : memref<5x1024xf32, #tpu.memory_space<vmem>>, vector<1x1024xf32>
      tpu.vector_store %arg3[%swap3A_399, %swap3A_400], %select_n3A_333 {strides = array<i32>} : memref<5x1024xf32, #tpu.memory_space<vmem>>, vector<1x1024xf32>,
      %swap3A_402 = arith.constant 2 : index
      %swap3A_403 = arith.constant 0 : index
      %swap3A_404 = vector.load %arg4[%swap3A_402, %swap3A_403] : memref<5x1024xi32, #tpu.memory_space<vmem>>, vector<1x1024xi32>
      tpu.vector_store %arg4[%swap3A_402, %swap3A_403], %select_n3A_335 {strides = array<i32>} : memref<5x1024xi32, #tpu.memory_space<vmem>>, vector<1x1024xi32>,
      %swap3A_405 = arith.constant 3 : index
      %swap3A_406 = arith.constant 0 : index
      %swap3A_407 = vector.load %arg3[%swap3A_405, %swap3A_406] : memref<5x1024xf32, #tpu.memory_space<vmem>>, vector<1x1024xf32>
      tpu.vector_store %arg3[%swap3A_405, %swap3A_406], %select_n3A_342 {strides = array<i32>} : memref<5x1024xf32, #tpu.memory_space<vmem>>, vector<1x1024xf32>,
      %swap3A_408 = arith.constant 3 : index
      %swap3A_409 = arith.constant 0 : index
      %swap3A_410 = vector.load %arg4[%swap3A_408, %swap3A_409] : memref<5x1024xi32, #tpu.memory_space<vmem>>, vector<1x1024xi32>
      tpu.vector_store %arg4[%swap3A_408, %swap3A_409], %select_n3A_344 {strides = array<i32>} : memref<5x1024xi32, #tpu.memory_space<vmem>>, vector<1x1024xi32>,
      %swap3A_411 = arith.constant 4 : index
      %swap3A_412 = arith.constant 0 : index
      %swap3A_413 = vector.load %arg3[%swap3A_411, %swap3A_412] : memref<5x1024xf32, #tpu.memory_space<vmem>>, vector<1x1024xf32>
      tpu.vector_store %arg3[%swap3A_411, %swap3A_412], %select_n3A_351 {strides = array<i32>} : memref<5x1024xf32, #tpu.memory_space<vmem>>, vector<1x1024xf32>,
      %swap3A_414 = arith.constant 4 : index
      %swap3A_415 = arith.constant 0 : index
      %swap3A_416 = vector.load %arg4[%swap3A_414, %swap3A_415] : memref<5x1024xi32, #tpu.memory_space<vmem>>, vector<1x1024xi32>
      tpu.vector_store %arg4[%swap3A_414, %swap3A_415], %select_n3A_352 {strides = array<i32>} : memref<5x1024xi32, #tpu.memory_space<vmem>>, vector<1x1024xi32>,
    } else {
    }
    return
  }
  func.func @transform_0(%arg0: i32) -> (i32, i32) {
    %c0_i32 = arith.constant 0 : i32
    %c0_i32_0 = arith.constant 0 : i32
    %c0_i32_1 = arith.constant 0 : i32
    return %c0_i32, %c0_i32_0 : i32, i32
  }
  func.func @transform_1(%arg0: i32) -> (i32, i32) {
    %c0_i32 = arith.constant 0 : i32
    %c0_i32_0 = arith.constant 0 : i32
    return %arg0, %c0_i32 : i32, i32
  }
  func.func @transform_2(%arg0: i32) -> (i32, i32) {
    %c0_i32 = arith.constant 0 : i32
    %c0_i32_0 = arith.constant 0 : i32
    %c0_i32_1 = arith.constant 0 : i32
    return %c0_i32, %c0_i32_0 : i32, i32
  }
  func.func @transform_3(%arg0: i32) -> (i32, i32) {
    %c0_i32 = arith.constant 0 : i32
    %c0_i32_0 = arith.constant 0 : i32
    %c0_i32_1 = arith.constant 0 : i32
    return %c0_i32, %c0_i32_0 : i32, i32
  }
}

module attributes {stable_mosaic.version = 14 : i64} {
  func.func @_evnorm_body(%arg0: i32, %arg1: memref<640x768xf32, #tpu.memory_space<vmem>>, %arg2: memref<640x768xf32, #tpu.memory_space<vmem>>) attributes {dimension_semantics = [#tpu.dimension_semantics<arbitrary>], iteration_bounds = array<i64: 8>, scalar_prefetch = 0 : i64, scratch_operands = 0 : i64, tpu.core_type = #tpu.core_type<tc>, window_params = [{transform_indices = @transform_0, window_bounds = array<i64: 640, 768>}, {transform_indices = @transform_1, window_bounds = array<i64: 640, 768>}]} {
    %get3A = arith.constant 0 : index
    %get3A_0 = arith.constant 0 : index
    %get3A_1 = vector.load %arg1[%get3A, %get3A_0] : memref<640x768xf32, #tpu.memory_space<vmem>>, vector<640x768xf32>
    %mul3A = arith.mulf %get3A_1, %get3A_1 : vector<640x768xf32>
    %reduce_sum3A = arith.constant dense<0.000000e+00> : vector<640xf32>
    %reduce_sum3A_2 = vector.multi_reduction <add>, %mul3A, %reduce_sum3A [1] : vector<640x768xf32> to vector<640xf32>
    %broadcast_in_dim3A = vector.shape_cast %reduce_sum3A_2 : vector<640xf32> to vector<640x1xf32>
    %sqrt3A = math.sqrt %broadcast_in_dim3A : vector<640x1xf32>
    %add3A = arith.constant 9.99999996E-13 : f32
    %add3A_3 = vector.broadcast %add3A : f32 to vector<640x1xf32>
    %add3A_4 = arith.addf %sqrt3A, %add3A_3 : vector<640x1xf32>
    %div3A = vector.broadcast %add3A_4 : vector<640x1xf32> to vector<640x768xf32>
    %div3A_5 = arith.divf %get3A_1, %div3A : vector<640x768xf32>
    %swap3A = arith.constant 0 : index
    %swap3A_6 = arith.constant 0 : index
    %swap3A_7 = vector.load %arg2[%swap3A, %swap3A_6] : memref<640x768xf32, #tpu.memory_space<vmem>>, vector<640x768xf32>
    tpu.vector_store %arg2[%swap3A, %swap3A_6], %div3A_5 {strides = array<i32>} : memref<640x768xf32, #tpu.memory_space<vmem>>, vector<640x768xf32>,
    return
  }
  func.func @transform_0(%arg0: i32) -> (i32, i32) {
    %c0_i32 = arith.constant 0 : i32
    %c0_i32_0 = arith.constant 0 : i32
    return %arg0, %c0_i32 : i32, i32
  }
  func.func @transform_1(%arg0: i32) -> (i32, i32) {
    %c0_i32 = arith.constant 0 : i32
    %c0_i32_0 = arith.constant 0 : i32
    return %arg0, %c0_i32 : i32, i32
  }
}

</mosaic_0001>

<sc_bundles>
// kernel: kernel.5.cloned.1.call-start
scs
__scs_entry_jumppad:
0x0: {  	(pc) =	sbr.rel $0x88, $3  }
0x1: {  	(tag) =	ssettag $0x0;
	lr =	simm.s32 $0x1  }
0x2: {  	[smem:$0x3F9F] =	sst lr;
	_ =	strace $0xD0000000  }
0x3: {  	_ = 	snop  }
0x4: {  	_ = 	snop  }
0x5: {  	_ = 	snop  }
0x6: {  	_ = 	snop  }
0x7: {  	_ = 	snop  }
__scs_overlays_trampoline_lowered:
0x8: {  	[smem:$0x3FAE] =	sst s0  }
0x9: {  	[smem:$0x3FAF] =	sst s1  }
0xa: {  	[smem:$0x3FB0] =	sst s2  }
0xb: {  	[smem:$0x3FB1] =	sst s3  }
0xc: {  	[smem:$0x3FB2] =	sst s4  }
0xd: {  	[smem:$0x3FB3] =	sst s5  }
0xe: {  	[smem:$0x3FB4] =	sst s6  }
0xf: {  	[smem:$0x3FB5] =	sst s7  }
0x10: {  	[smem:$0x3FB6] =	sst s8  }
0x11: {  	[smem:$0x3FB7] =	sst s9;
	s0 =	simm.s32 @!p0 $0x0  }
0x12: {  	s1 =	sld [smem:$0x3F9D];
	s0 =	simm.s32 @p0 $0x1  }
0x13: {  	[smem:$0x3FB8] =	sst s0;
	s0 =	simm.s32 @!p1 $0x0  }
0x14: {  	s2 =	sld [smem:$0x3F9C];
	s0 =	simm.s32 @p1 $0x1  }
0x15: {  	[smem:$0x3FB9] =	sst s0;
	s0 =	simm.s32 @!p2 $0x0  }
0x16: {  	s3 =	sld [smem:$0x3FDB];
	s0 =	simm.s32 @p2 $0x1  }
0x17: {  	s4 =	simm.s32 $0x1BF5;
	[smem:$0x3FBB] =	sst s0  }
0x18: {  	s0 =	sld [smem:$0x3F9E];
	_ =	swait.ge [sflag:s4], $0x0  }
0x19: {  	s7 =	sld [smem:$0x3F9F]  }
0x1a: {  	s8 =	sadd.s32 $0xFFFFE003, lr  }
0x1b: {  	s9 =	sadd.s32 $0xFFFFFEF7, lr;
	s5 =	simm.s32 $0xFFFFFFFF;
	p2 =	slt.u32 s8, $0xFFFFF086  }
0x1c: {  	p1 =	slt.u32 s9, $0xF7A;
	s5 =	simm.s32 @!p2 $0x0  }
0x1d: {  	s5 =	simm.s32 @p1 $0x1;
	p0 =	seq.s32 s7, s2  }
0x1e: {  	s7 =	smul.u32 @!p0 $0xF7A, s2;
	p2 =	seq.s32 @!p0 s5, $0x0  }
0x1f: {  	s9 =	smul.u32 $0xF7A, s1;
	s8 =	simm.s32 @!p0 $0x1BF5;
	p2 =	por !p2, p0  }
0x20: {  	[sflag:s8] =	ssyncset.s32 @!p0 $0xFFFFF086;
	s6 =	sadd.s32 @!p0 s3, s7;
	s7 =	simm.s32 @!p0 $0x108  }
0x21: {  	s3 =	sadd.s32 s3, s9;
	s6 =	sadd.s32 @!p0 $0x88, s6;
	s7 =	simm.s32 @p2 $0x1082  }
0x22: {  	[simem:s7], [sflag:s8] =	dma.local @!p0 [hbm:s6], $0xF7A  }
0x23: {  	s9 =	sor.u32 $0xD0000000, s2;
	s6 =	simm.s32 $0x108;
	_ =	swait.ge @!p0 [sflag:s8], $0x0  }
0x24: {  	s3 =	sadd.s32 $0x88, s3;
	s6 =	simm.s32 @!p1 $0x1082;
	[sflag:s4] =	ssyncset.s32 $0xFFFFF086  }
0x25: {  	[simem:s6], [sflag:s4] =	dma.local [hbm:s3], $0xF7A  }
0x26: {  	[smem:$0x3F9F] =	sst s1;
	(tag) =	ssettag s2;
	_ =	strace s9  }
0x27: {  	s1 =	sld [smem:$0x3FAF]  }
0x28: {  	s2 =	sld [smem:$0x3FB0]  }
0x29: {  	s4 =	sld [smem:$0x3FB2]  }
0x2a: {  	p0 =	seq.s32 s5, $0x0;
	s5 =	sld [smem:$0x3FB3]  }
0x2b: {  	s6 =	sld [smem:$0x3FB4]  }
0x2c: {  	s7 =	sld [smem:$0x3FB5]  }
0x2d: {  	s3 =	simm.s32 $0x108;
	s8 =	sld [smem:$0x3FB6]  }
0x2e: {  	s3 =	simm.s32 @!p0 $0x1082;
	s9 =	sld [smem:$0x3FB7]  }
0x2f: {  	lr =	sadd.s32 s0, s3;
	s0 =	sld [smem:$0x3FAE]  }
0x30: {  	s3 =	sld [smem:$0x3FB1]  }
0x31: {  	[smem:$0x3FBA] =	sst s10  }
0x32: {  	s10 =	sld [smem:$0x3FB8];
	_ =	sdelay $0x3  }
0x33: {  	p0 =	seq.s32 s10, $0x1;
	s10 =	sld [smem:$0x3FBA];
	_ =	sdelay $0x3  }
0x34: {  	[smem:$0x3FBA] =	sst s10  }
0x35: {  	s10 =	sld [smem:$0x3FB9];
	_ =	sdelay $0x3  }
0x36: {  	p1 =	seq.s32 s10, $0x1;
	s10 =	sld [smem:$0x3FBA];
	_ =	sdelay $0x3  }
0x37: {  	[smem:$0x3FBA] =	sst s10  }
0x38: {  	s10 =	sld [smem:$0x3FBB]  }
0x39: {  	_ = 	snop;
	(pc) =	sbr.ind lr, $3  }
0x3a: {  	_ = 	snop  }
0x3b: {  	_ = 	snop  }
0x3c: {  	p2 =	seq.s32 s10, $0x1;
	s10 =	sld [smem:$0x3FBA]  }
0x3d: {  	_ =	shalt  }
0x3e: {  	_ =	shalt  }
0x3f: {  	_ =	shalt  }
0x40: {  	_ =	shalt  }
0x41: {  	_ =	shalt  }
0x42: {  	_ =	shalt  }
0x43: {  	_ =	shalt  }
0x44: {  	_ =	shalt  }
0x45: {  	_ =	shalt  }
0x46: {  	_ =	shalt  }
0x47: {  	_ =	shalt  }
0x48: {  	_ =	shalt  }
0x49: {  	_ =	shalt  }
0x4a: {  	_ =	shalt  }
0x4b: {  	_ =	shalt  }
0x4c: {  	_ =	shalt  }
0x4d: {  	_ =	shalt  }
0x4e: {  	_ =	shalt  }
0x4f: {  	_ =	shalt  }
0x50: {  	_ =	shalt  }
0x51: {  	_ =	shalt  }
0x52: {  	_ =	shalt  }
0x53: {  	_ =	shalt  }
0x54: {  	_ =	shalt  }
0x55: {  	_ =	shalt  }
0x56: {  	_ =	shalt  }
0x57: {  	_ =	shalt  }
0x58: {  	_ =	shalt  }
0x59: {  	_ =	shalt  }
0x5a: {  	_ =	shalt  }
0x5b: {  	_ =	shalt  }
0x5c: {  	_ =	shalt  }
0x5d: {  	_ =	shalt  }
0x5e: {  	_ =	shalt  }
0x5f: {  	_ =	shalt  }
0x60: {  	_ =	shalt  }
0x61: {  	_ =	shalt  }
0x62: {  	_ =	shalt  }
0x63: {  	_ =	shalt  }
0x64: {  	_ =	shalt  }
0x65: {  	_ =	shalt  }
0x66: {  	_ =	shalt  }
0x67: {  	_ =	shalt  }
0x68: {  	_ =	shalt  }
0x69: {  	_ =	shalt  }
0x6a: {  	_ =	shalt  }
0x6b: {  	_ =	shalt  }
0x6c: {  	_ =	shalt  }
0x6d: {  	_ =	shalt  }
0x6e: {  	_ =	shalt  }
0x6f: {  	_ =	shalt  }
0x70: {  	_ =	shalt  }
0x71: {  	_ =	shalt  }
0x72: {  	_ =	shalt  }
0x73: {  	_ =	shalt  }
0x74: {  	_ =	shalt  }
0x75: {  	_ =	shalt  }
0x76: {  	_ =	shalt  }
0x77: {  	_ =	shalt  }
0x78: {  	_ =	shalt  }
0x79: {  	_ =	shalt  }
0x7a: {  	_ =	shalt  }
0x7b: {  	_ =	shalt  }
0x7c: {  	_ =	shalt  }
0x7d: {  	_ =	shalt  }
0x7e: {  	_ =	shalt  }
0x7f: {  	_ =	shalt  }
0x80: {  	_ =	shalt  }
0x81: {  	_ =	shalt  }
0x82: {  	_ =	shalt  }
0x83: {  	_ =	shalt  }
0x84: {  	_ =	shalt  }
0x85: {  	_ =	shalt  }
0x86: {  	_ =	shalt  }
0x87: {  	_ =	shalt  }
.Lfunc_end0:
.L_simem_size_0:
called_computation_lowered:
.L_overlay_start_0:
0x88: {  	s2 =	sld [smem:$0x3FD9]  }
0x89: {  	s3 =	sld [smem:$0x3FFE];
	_ =	sdelay $0x1  }
0x8a: {  	s1 =	srdreg.scid  }
0x8b: {  	s0 =	sand.u32 $0x1, s1  }
0x8c: {  	s14 =	sshll.u32 s0, $0xA;
	s2 =	sadd.s32 s3, s2  }
0x8d: {  	s2 =	sadd.s32 s2, s14  }
0x8e: {  	[smem:$0x3FC6] =	sst s2  }
0x8f: {  	_ = 	snop  }
0x90: {  	s2 =	sld [smem:$0x3FD0];
	_ =	sdelay $0x2  }
0x91: {  	s4 =	simm.s32 $0xA;
	s5 =	simm.s32 $0x10;
	s15 =	sld [smem:$0x3FC8]  }
0x92: {  	[smem:s5], [sflag:s4] =	dma.local [hbm:s2], $0x1  }
0x93: {  	_ =	swait.eq [sflag:s4], $0x1  }
0x94: {  	[sflag:s4] =	ssyncset.done $0x0  }
0x95: {  	[sflag:s4] =	ssyncadd.s32 $0xFFFFFFFF  }
0x96: {  	s16 =	sld [smem:$0x12];
	(tm) =	ssettm $0x1  }
0x97: {  	s17 =	sld [smem:$0x3FFB];
	_ =	sdelay $0x3  }
0x98: {  	_ =	strace s17  }
0x99: {  	s4 =	sld [smem:$0x3FFC];
	_ =	sdelay $0x3  }
0x9a: {  	_ =	strace s4  }
0x9b: {  	s4 =	sld [smem:$0x3FFD];
	_ =	sdelay $0x3  }
0x9c: {  	_ =	strace s4  }
0x9d: {  	_ =	strace $0x8FFFFFFF  }
0x9e: {  	s18 =	sld [smem:$0x3FDB];
	_ =	sdelay $0x1  }
0x9f: {  	s19 =	simm.s32 $_scs_section_size  }
0xa0: {  	s6 =	simm.s32 $_size__tile_overlayer_lowered;
	s7 =	simm.s32 $_tile_overlayer_lowered  }
0xa1: {  	s22 =	simm.s32 $0x1BFF;
	s21 =	sshll.u32 s7, $0x1;
	s4 =	sadd.s32 s19, s18  }
0xa2: {  	s8 =	simm.s32 $0x0;
	s20 =	sshll.u32 s6, $0x1;
	s6 =	sadd.s32 s21, s4  }
0xa3: {  	[timem:s8], [sflag:s22] =	dma.local [hbm:s6], s20  }
0xa4: {  	_ =	swait.ge [sflag:s22], s20  }
0xa5: {  	s5 =	ssub.s32 $0x0, s20;
	[sflag:s22] =	ssyncset.done $0x0  }
0xa6: {  	[sflag:s22] =	ssyncadd.s32 s5;
	_ =	sdelay $0x1  }
0xa7: {  	s23 =	simm.s32 $0x1B8B  }
0xa8: {  	_ =	swait.ge [sflag:s23], $0x1  }
0xa9: {  	[sflag:s23] =	ssyncset.done $0x0  }
0xaa: {  	s25 =	simm.s32 $0x1B8E;
	s24 =	sld [smem:$0x3FFE];
	[sflag:s23] =	ssyncadd.s32 $0xFFFFFFFF  }
0xab: {  	s26 =	simm.s32 $execute0_lowered;
	[smem:$0x3FD2] =	sst s25  }
0xac: {  	s6 =	sshll.u32 s26, $0x1;
	_ =	strace $0x80000046;
	[dreg:$0x1] =	wrdreg $0xFFFFFFFF  }
0xad: {  	s28 =	simm.s32 $_size_execute0_lowered;
	s4 =	sadd.s32 s4, s6;
	[dreg:$0x0] =	wrdreg $0x0  }
0xae: {  	s6 =	sshll.u32 s28, $0x1;
	[dreg:$0x2] =	wrdreg s4  }
0xaf: {  	[dreg:$0x3] =	wrdreg s6  }
0xb0: {  	[dreg:$0x4] =	wrdreg $0xC0  }
0xb1: {  	_ =	task [dreg:s8], $0x5FFFF  }
0xb2: {  	[dreg:$0x1] =	wrdreg $0xFFFFFFFF  }
0xb3: {  	[dreg:$0x0] =	wrdreg $0x60  }
0xb4: {  	[dreg:$0x2] =	wrdreg s24  }
0xb5: {  	[dreg:$0x3] =	wrdreg s15  }
0xb6: {  	[dreg:$0x4] =	wrdreg s16  }
0xb7: {  	[dreg:$0x5] =	wrdreg $0x9  }
0xb8: {  	_ =	task.clear_ibuf [dreg:s8], $0x6FFFF;
	_ =	strace $0x90000046  }
0xb9: {  	s29 =	simm.s32 $0x9;
	_ =	strace $0x80000048  }
0xba: {  	_ =	swait.ge [sflag:s29], $0x1  }
0xbb: {  	[sflag:s29] =	ssyncadd.s32 $0xFFFFFFFF  }
0xbc: {  	_ =	strace $0x90000048  }
0xbd: {  	_ =	sfence  }
0xbe: {  	s30 =	sld [smem:$0x0];
	_ =	sdelay $0x2  }
0xbf: {  	s31 =	sshll.u32 s1, $0xD;
	s1 =	sshrl.u32 s1, $0x2  }
0xc0: {  	s3 =	sand.u32 $0x4000, s31;
	s1 =	sadd.s32 s1, s30  }
0xc1: {  	s0 =	sor.u32 s3, s0;
	s1 =	sshll.u32 s1, $0x11  }
0xc2: {  	s0 =	sor.u32 s1, s0  }
0xc3: {  	s0 =	sadd.s32 $0x8F2B, s0  }
0xc4: {  	[sflag:s0] =	ssyncadd.remote.s32 $0x1  }
0xc5: {  	_ =	sfence.sel $0xFFFF  }
0xc6: {  	[dreg:$0x0] =	wrdreg $0xFFFFFFFF;
	(pc) =	sbr.abs _section_cstart, $3  }
0xc7: {  	[dreg:$0x1] =	wrdreg $0xFFFFFFFF  }
0xc8: {  	_ =	task.clear_ibuf [dreg:s8], $0x2FFFF;
	_ =	strace $0x9FFFFFFF  }
0xc9: {  	(tm) =	ssettm $0x7FFFFFFF  }
tec
execute0_lowered:
.L_overlay_start_1:
0x0: {  	(tag) =	ssettag $0x1  }
0x1: {  	s1 =	srdreg.scid  }
0x2: {  	s0 =	stileid.u32;
	s4 =	rddreg [dreg:$0x0]  }
0x3: {  	s2 =	rddreg [dreg:$0x1];
	s1 =	sand.u32 $0x1, s1;
	s3 =	sshll.u32 s0, $0x1  }
0x4: {  	s6 =	rddreg [dreg:$0x2];
	s5 =	sor.u32 s1, s3;
	s3 =	simm.s32 $0x0  }
0x5: {  	s12 =	simm.s32 $0x900;
	[smem:$0x7FF] =	sst s3  }
0x6: {  	s13 =	simm.s32 $0x1100;
	_ =	strace $0x80000047;
	[dreg:$0x6] =	wrdreg s12  }
0x7: {  	s14 =	simm.s32 $0x1900;
	[dreg:$0x7] =	wrdreg s13  }
0x8: {  	s15 =	simm.s32 $0x2100;
	[dreg:$0x8] =	wrdreg s14  }
0x9: {  	s16 =	simm.s32 $0x2900;
	[dreg:$0x9] =	wrdreg s15  }
0xa: {  	s17 =	simm.s32 $0x3100;
	[dreg:$0xa] =	wrdreg s16  }
0xb: {  	s18 =	simm.s32 $0x3900;
	[dreg:$0xb] =	wrdreg s17  }
0xc: {  	s19 =	simm.s32 $0x4100;
	[dreg:$0xc] =	wrdreg s18  }
0xd: {  	s20 =	simm.s32 $0x4900;
	[dreg:$0xd] =	wrdreg s19  }
0xe: {  	s21 =	simm.s32 $0x5100;
	[dreg:$0xe] =	wrdreg s20  }
0xf: {  	s22 =	simm.s32 $0x5900;
	[dreg:$0xf] =	wrdreg s21  }
0x10: {  	s23 =	simm.s32 $0x6100;
	[dreg:$0x10] =	wrdreg s22  }
0x11: {  	s24 =	simm.s32 $0x6900;
	[dreg:$0x11] =	wrdreg s23  }
0x12: {  	s25 =	simm.s32 $0x7100;
	[dreg:$0x12] =	wrdreg s24  }
0x13: {  	s26 =	simm.s32 $0x7900;
	[dreg:$0x13] =	wrdreg s25  }
0x14: {  	s0 =	simm.s32 $0x8100;
	[dreg:$0x14] =	wrdreg s26  }
0x15: {  	s8 =	simm.s32 $0xA100;
	[dreg:$0x15] =	wrdreg s0  }
0x16: {  	s9 =	simm.s32 $0xA900;
	s10 =	simm.s32 $0xB100;
	[dreg:$0x19] =	wrdreg s8  }
0x17: {  	s28 =	simm.s32 $0x1C100;
	s29 =	simm.s32 $0x1C900;
	[dreg:$0x1a] =	wrdreg s9  }
0x18: {  	s30 =	simm.s32 $0x1D100;
	[dreg:$0x1b] =	wrdreg s10;
	s12 =	simm.s32 $0xC100  }
0x19: {  	s31 =	simm.s32 $0x1D900;
	s13 =	simm.s32 $0xC900;
	[dreg:$0x1d] =	wrdreg s12  }
0x1a: {  	s1 =	ssub.s32 $0x2, s1;
	s14 =	simm.s32 $0xD100;
	[dreg:$0x1e] =	wrdreg s13  }
0x1b: {  	s7 =	smul.u32 $0x14, s5;
	s15 =	simm.s32 $0xD900;
	[dreg:$0x1f] =	wrdreg s14  }
0x1c: {  	s5 =	smul.u32 $0x3C00, s5;
	s16 =	simm.s32 $0xE100;
	[smem:$0x7F3] =	sst s15  }
0x1d: {  	s17 =	simm.s32 $0xE900;
	s18 =	simm.s32 $0xF100;
	[smem:$0x7F4] =	sst s16  }
0x1e: {  	s19 =	sshrl.u32 s1, $0x1;
	s20 =	simm.s32 $0xF900;
	[smem:$0x7F5] =	sst s17  }
0x1f: {  	s21 =	simm.s32 $0x10100;
	s22 =	simm.s32 $0x10900;
	[smem:$0x7F6] =	sst s18  }
0x20: {  	s23 =	simm.s32 $0x11100;
	s24 =	simm.s32 $0x11900;
	[smem:$0x7F7] =	sst s20  }
0x21: {  	s25 =	simm.s32 $0x12100;
	s8 =	simm.s32 $0x100;
	[smem:$0x7F8] =	sst s21  }
0x22: {  	s26 =	simm.s32 $0x12900;
	s10 =	simm.s32 $0x13900;
	[smem:$0x7F9] =	sst s22  }
0x23: {  	s4 =	sadd.s32 s7, s4;
	s11 =	sadd.s32 s6, s5;
	[smem:$0x7FA] =	sst s23  }
0x24: {  	s5 =	simm.s32 $0x8900;
	s6 =	simm.s32 $0x9100;
	[smem:$0x7FB] =	sst s24  }
0x25: {  	s7 =	simm.s32 $0x9900;
	s1 =	ssub.s32 s1, s19;
	[smem:$0x7FC] =	sst s25  }
0x26: {  	[smem:$0x7FD] =	sst s26;
	s12 =	simm.s32 $0x14900;
	s13 =	simm.s32 $0x15100  }
0x27: {  	s14 =	simm.s32 $0x15900;
	s15 =	simm.s32 $0x16100;
	s16 =	simm.s32 $0x16900  }
0x28: {  	s17 =	simm.s32 $0x17100;
	s18 =	simm.s32 $0x17900;
	s19 =	simm.s32 $0x18100  }
0x29: {  	s20 =	simm.s32 $0x18900;
	s21 =	simm.s32 $0x19100;
	[dreg:$0x5] =	wrdreg s11  }
0x2a: {  	s22 =	simm.s32 $0x19900;
	s23 =	simm.s32 $0x1A100;
	[dreg:$0x16] =	wrdreg s5  }
0x2b: {  	s24 =	simm.s32 $0x1A900;
	s25 =	simm.s32 $0x1B100;
	[dreg:$0x17] =	wrdreg s6  }
0x2c: {  	s26 =	simm.s32 $0x1B900;
	s4 =	sadd.s32 $0x800, s4;
	[dreg:$0x18] =	wrdreg s7  }
0x2d: {  	v2 =	vlaneseq.u32;
	s11 =	simm.s32 $0xB900;
	s5 =	sadd.s32 $0x200, s2;
	s6 =	smax.u32 s1, $0x1  }
0x2e: {  	vm0 =	vmmov $0xffff;
	v1 =	vshrl.u32 v2, $0x3;
	s7 =	simm.s32 $0x2;
	s1 =	simm.s32 $0x1;
	[dreg:$0x4] =	wrdreg s4  }
0x2f: {  	v0 =	vand.u32 $0x7, v2;
	v2 =	vor.u32 $0x8, v2;
	v1 =	vmul.u32 $0x8, v1;
	[dreg:$0x1c] =	wrdreg s11;
	s4 =	sadd.s32 $0x100, s2;
	s11 =	simm.s32 $0x14100  }
.LBB2_1:
0x30: {  	s0 =	rddreg [dreg:$0x4]  }
0x31: {  	[tilespmem:s3], [sflag:$0x2] =	stream.linear.gather [hbm4b:s0+s3], $0xA0, $0x38;
	[tilespmem:$0x1E100] =	vst v63  }
0x32: {  	_ =	swait.ge [sflag:s7], $0xA0  }
0x33: {  	[sflag:s7] =	ssyncset.done $0x0  }
0x34: {  	[sflag:s7] =	ssyncadd.s32 $0xFFFFFF60  }
0x35: {  	v3 =	vld [tilespmem:$0x0];
	_ =	sdelay $0x4  }
0x36: {  	v4 =	vshrl.u32 v3, $0x3  }
0x37: {  	v4 =	vmul.u32 $0x30, v4  }
0x38: {  	v3 =	vand.u32 $0x7, v3  }
0x39: {  	v3 =	vor.u32 v3, v4  }
0x3a: {  	v4 =	vperm.xlane v3, v0;
	_ =	sdelay $0x1  }
0x3b: {  	v4 =	vadd.s32 v1, v4;
	_ =	sdelay $0x3  }
0x3c: {  	v3 =	vperm.xlane v3, v2  }
0x3d: {  	[tilespmem:s8], [sflag:$0x1] =	stream.indirect_vreg.gather [hbm4b:s2+s3], $0x80, v4, vm0, $0xb8;
	[tilespmem:$0x1E100] =	vst v63  }
0x3e: {  	s0 =	rddreg [dreg:$0x6];
	v3 =	vadd.s32 v1, v3  }
0x3f: {  	[tilespmem:s0], [sflag:$0x1] =	stream.indirect_vreg.gather [hbm4b:s4+s3], $0x80, v4, vm0, $0xb8;
	[tilespmem:$0x1E100] =	vst v63  }
0x40: {  	s9 =	rddreg [dreg:$0x7]  }
0x41: {  	[tilespmem:s9], [sflag:$0x1] =	stream.indirect_vreg.gather [hbm4b:s5+s3], $0x80, v4, vm0, $0xb8;
	[tilespmem:$0x1E100] =	vst v63  }
0x42: {  	s0 =	rddreg [dreg:$0x8]  }
0x43: {  	[tilespmem:s0], [sflag:$0x1] =	stream.indirect_vreg.gather [hbm4b:s2+s3], $0x80, v3, vm0, $0xb8;
	[tilespmem:$0x1E100] =	vst v63  }
0x44: {  	s9 =	rddreg [dreg:$0x9]  }
0x45: {  	[tilespmem:s9], [sflag:$0x1] =	stream.indirect_vreg.gather [hbm4b:s4+s3], $0x80, v3, vm0, $0xb8;
	[tilespmem:$0x1E100] =	vst v63  }
0x46: {  	s0 =	rddreg [dreg:$0xa]  }
0x47: {  	[tilespmem:s0], [sflag:$0x1] =	stream.indirect_vreg.gather [hbm4b:s5+s3], $0x80, v3, vm0, $0xb8;
	[tilespmem:$0x1E100] =	vst v63  }
0x48: {  	v3 =	vld [tilespmem:$0x10];
	_ =	sdelay $0x4  }
0x49: {  	v55 =	vshrl.u32 v3, $0x3  }
0x4a: {  	v4 =	vmul.u32 $0x30, v55  }
0x4b: {  	v3 =	vand.u32 $0x7, v3  }
0x4c: {  	v3 =	vor.u32 v3, v4  }
0x4d: {  	v4 =	vperm.xlane v3, v0;
	_ =	sdelay $0x1  }
0x4e: {  	v4 =	vadd.s32 v1, v4;
	_ =	sdelay $0x3  }
0x4f: {  	s0 =	rddreg [dreg:$0xb];
	v3 =	vperm.xlane v3, v2  }
0x50: {  	[tilespmem:s0], [sflag:$0x1] =	stream.indirect_vreg.gather [hbm4b:s2+s3], $0x80, v4, vm0, $0xb8;
	[tilespmem:$0x1E100] =	vst v63  }
0x51: {  	s9 =	rddreg [dreg:$0xc];
	v3 =	vadd.s32 v1, v3  }
0x52: {  	[tilespmem:s9], [sflag:$0x1] =	stream.indirect_vreg.gather [hbm4b:s4+s3], $0x80, v4, vm0, $0xb8;
	[tilespmem:$0x1E100] =	vst v63  }
0x53: {  	s0 =	rddreg [dreg:$0xd]  }
0x54: {  	[tilespmem:s0], [sflag:$0x1] =	stream.indirect_vreg.gather [hbm4b:s5+s3], $0x80, v4, vm0, $0xb8;
	[tilespmem:$0x1E100] =	vst v63  }
0x55: {  	s9 =	rddreg [dreg:$0xe]  }
0x56: {  	[tilespmem:s9], [sflag:$0x1] =	stream.indirect_vreg.gather [hbm4b:s2+s3], $0x80, v3, vm0, $0xb8;
	[tilespmem:$0x1E100] =	vst v63  }
0x57: {  	s0 =	rddreg [dreg:$0xf]  }
0x58: {  	[tilespmem:s0], [sflag:$0x1] =	stream.indirect_vreg.gather [hbm4b:s4+s3], $0x80, v3, vm0, $0xb8;
	[tilespmem:$0x1E100] =	vst v63  }
0x59: {  	s9 =	rddreg [dreg:$0x10]  }
0x5a: {  	[tilespmem:s9], [sflag:$0x1] =	stream.indirect_vreg.gather [hbm4b:s5+s3], $0x80, v3, vm0, $0xb8;
	[tilespmem:$0x1E100] =	vst v63  }
0x5b: {  	v3 =	vld [tilespmem:$0x20];
	_ =	sdelay $0x4  }
0x5c: {  	v56 =	vshrl.u32 v3, $0x3  }
0x5d: {  	v4 =	vmul.u32 $0x30, v56  }
0x5e: {  	v3 =	vand.u32 $0x7, v3  }
0x5f: {  	v3 =	vor.u32 v3, v4  }
0x60: {  	v4 =	vperm.xlane v3, v0;
	_ =	sdelay $0x1  }
0x61: {  	v4 =	vadd.s32 v1, v4;
	_ =	sdelay $0x3  }
0x62: {  	s0 =	rddreg [dreg:$0x11];
	v3 =	vperm.xlane v3, v2  }
0x63: {  	[tilespmem:s0], [sflag:$0x1] =	stream.indirect_vreg.gather [hbm4b:s2+s3], $0x80, v4, vm0, $0xb8;
	[tilespmem:$0x1E100] =	vst v63  }
0x64: {  	s9 =	rddreg [dreg:$0x12];
	v3 =	vadd.s32 v1, v3  }
0x65: {  	[tilespmem:s9], [sflag:$0x1] =	stream.indirect_vreg.gather [hbm4b:s4+s3], $0x80, v4, vm0, $0xb8;
	[tilespmem:$0x1E100] =	vst v63  }
0x66: {  	s0 =	rddreg [dreg:$0x13]  }
0x67: {  	[tilespmem:s0], [sflag:$0x1] =	stream.indirect_vreg.gather [hbm4b:s5+s3], $0x80, v4, vm0, $0xb8;
	[tilespmem:$0x1E100] =	vst v63  }
0x68: {  	s9 =	rddreg [dreg:$0x14]  }
0x69: {  	[tilespmem:s9], [sflag:$0x1] =	stream.indirect_vreg.gather [hbm4b:s2+s3], $0x80, v3, vm0, $0xb8;
	[tilespmem:$0x1E100] =	vst v63  }
0x6a: {  	s0 =	rddreg [dreg:$0x15]  }
0x6b: {  	[tilespmem:s0], [sflag:$0x1] =	stream.indirect_vreg.gather [hbm4b:s4+s3], $0x80, v3, vm0, $0xb8;
	[tilespmem:$0x1E100] =	vst v63  }
0x6c: {  	s9 =	rddreg [dreg:$0x16]  }
0x6d: {  	[tilespmem:s9], [sflag:$0x1] =	stream.indirect_vreg.gather [hbm4b:s5+s3], $0x80, v3, vm0, $0xb8;
	[tilespmem:$0x1E100] =	vst v63  }
0x6e: {  	v3 =	vld [tilespmem:$0x30];
	_ =	sdelay $0x4  }
0x6f: {  	v57 =	vshrl.u32 v3, $0x3  }
0x70: {  	v4 =	vmul.u32 $0x30, v57  }
0x71: {  	v3 =	vand.u32 $0x7, v3  }
0x72: {  	v3 =	vor.u32 v3, v4  }
0x73: {  	v4 =	vperm.xlane v3, v0;
	_ =	sdelay $0x1  }
0x74: {  	v4 =	vadd.s32 v1, v4;
	_ =	sdelay $0x3  }
0x75: {  	s0 =	rddreg [dreg:$0x17];
	v3 =	vperm.xlane v3, v2  }
0x76: {  	[tilespmem:s0], [sflag:$0x1] =	stream.indirect_vreg.gather [hbm4b:s2+s3], $0x80, v4, vm0, $0xb8;
	[tilespmem:$0x1E100] =	vst v63  }
0x77: {  	s9 =	rddreg [dreg:$0x18];
	v3 =	vadd.s32 v1, v3  }
0x78: {  	[tilespmem:s9], [sflag:$0x1] =	stream.indirect_vreg.gather [hbm4b:s4+s3], $0x80, v4, vm0, $0xb8;
	[tilespmem:$0x1E100] =	vst v63  }
0x79: {  	s0 =	rddreg [dreg:$0x19]  }
0x7a: {  	[tilespmem:s0], [sflag:$0x1] =	stream.indirect_vreg.gather [hbm4b:s5+s3], $0x80, v4, vm0, $0xb8;
	[tilespmem:$0x1E100] =	vst v63  }
0x7b: {  	s9 =	rddreg [dreg:$0x1a]  }
0x7c: {  	[tilespmem:s9], [sflag:$0x1] =	stream.indirect_vreg.gather [hbm4b:s2+s3], $0x80, v3, vm0, $0xb8;
	[tilespmem:$0x1E100] =	vst v63  }
0x7d: {  	s0 =	rddreg [dreg:$0x1b]  }
0x7e: {  	[tilespmem:s0], [sflag:$0x1] =	stream.indirect_vreg.gather [hbm4b:s4+s3], $0x80, v3, vm0, $0xb8;
	[tilespmem:$0x1E100] =	vst v63  }
0x7f: {  	s9 =	rddreg [dreg:$0x1c]  }
0x80: {  	[tilespmem:s9], [sflag:$0x1] =	stream.indirect_vreg.gather [hbm4b:s5+s3], $0x80, v3, vm0, $0xb8;
	[tilespmem:$0x1E100] =	vst v63  }
0x81: {  	v3 =	vld [tilespmem:$0x40];
	_ =	sdelay $0x4  }
0x82: {  	v58 =	vshrl.u32 v3, $0x3  }
0x83: {  	v4 =	vmul.u32 $0x30, v58  }
0x84: {  	v3 =	vand.u32 $0x7, v3  }
0x85: {  	v3 =	vor.u32 v3, v4  }
0x86: {  	v4 =	vperm.xlane v3, v0;
	_ =	sdelay $0x1  }
0x87: {  	v4 =	vadd.s32 v1, v4;
	_ =	sdelay $0x2  }
0x88: {  	s0 =	rddreg [dreg:$0x1d]  }
0x89: {  	s9 =	rddreg [dreg:$0x1e];
	v3 =	vperm.xlane v3, v2  }
0x8a: {  	[tilespmem:s0], [sflag:$0x1] =	stream.indirect_vreg.gather [hbm4b:s2+s3], $0x80, v4, vm0, $0xb8;
	[tilespmem:$0x1E100] =	vst v63  }
0x8b: {  	v3 =	vadd.s32 v1, v3;
	s0 =	rddreg [dreg:$0x1f]  }
0x8c: {  	[tilespmem:s9], [sflag:$0x1] =	stream.indirect_vreg.gather [hbm4b:s4+s3], $0x80, v4, vm0, $0xb8;
	[tilespmem:$0x1E100] =	vst v63  }
0x8d: {  	s9 =	sld [smem:$0x7F3]  }
0x8e: {  	[tilespmem:s0], [sflag:$0x1] =	stream.indirect_vreg.gather [hbm4b:s5+s3], $0x80, v4, vm0, $0xb8;
	[tilespmem:$0x1E100] =	vst v63  }
0x8f: {  	s0 =	sld [smem:$0x7F4]  }
0x90: {  	[tilespmem:s9], [sflag:$0x1] =	stream.indirect_vreg.gather [hbm4b:s2+s3], $0x80, v3, vm0, $0xb8;
	[tilespmem:$0x1E100] =	vst v63  }
0x91: {  	s9 =	sld [smem:$0x7F5]  }
0x92: {  	[tilespmem:s0], [sflag:$0x1] =	stream.indirect_vreg.gather [hbm4b:s4+s3], $0x80, v3, vm0, $0xb8;
	[tilespmem:$0x1E100] =	vst v63  }
0x93: {  	_ = 	snop  }
0x94: {  	[tilespmem:s9], [sflag:$0x1] =	stream.indirect_vreg.gather [hbm4b:s5+s3], $0x80, v3, vm0, $0xb8;
	[tilespmem:$0x1E100] =	vst v63  }
0x95: {  	v3 =	vld [tilespmem:$0x50];
	_ =	sdelay $0x4  }
0x96: {  	v59 =	vshrl.u32 v3, $0x3  }
0x97: {  	v4 =	vmul.u32 $0x30, v59  }
0x98: {  	v3 =	vand.u32 $0x7, v3  }
0x99: {  	v3 =	vor.u32 v3, v4  }
0x9a: {  	v4 =	vperm.xlane v3, v0;
	_ =	sdelay $0x1  }
0x9b: {  	v4 =	vadd.s32 v1, v4;
	_ =	sdelay $0x1  }
0x9c: {  	s0 =	sld [smem:$0x7F6];
	_ =	sdelay $0x1  }
0x9d: {  	s9 =	sld [smem:$0x7F7];
	v3 =	vperm.xlane v3, v2  }
0x9e: {  	[tilespmem:s0], [sflag:$0x1] =	stream.indirect_vreg.gather [hbm4b:s2+s3], $0x80, v4, vm0, $0xb8;
	[tilespmem:$0x1E100] =	vst v63  }
0x9f: {  	v3 =	vadd.s32 v1, v3;
	s0 =	sld [smem:$0x7F8]  }
0xa0: {  	[tilespmem:s9], [sflag:$0x1] =	stream.indirect_vreg.gather [hbm4b:s4+s3], $0x80, v4, vm0, $0xb8;
	[tilespmem:$0x1E100] =	vst v63  }
0xa1: {  	s9 =	sld [smem:$0x7F9]  }
0xa2: {  	[tilespmem:s0], [sflag:$0x1] =	stream.indirect_vreg.gather [hbm4b:s5+s3], $0x80, v4, vm0, $0xb8;
	[tilespmem:$0x1E100] =	vst v63  }
0xa3: {  	s0 =	sld [smem:$0x7FA]  }
0xa4: {  	[tilespmem:s9], [sflag:$0x1] =	stream.indirect_vreg.gather [hbm4b:s2+s3], $0x80, v3, vm0, $0xb8;
	[tilespmem:$0x1E100] =	vst v63  }
0xa5: {  	s9 =	sld [smem:$0x7FB]  }
0xa6: {  	[tilespmem:s0], [sflag:$0x1] =	stream.indirect_vreg.gather [hbm4b:s4+s3], $0x80, v3, vm0, $0xb8;
	[tilespmem:$0x1E100] =	vst v63  }
0xa7: {  	_ = 	snop  }
0xa8: {  	[tilespmem:s9], [sflag:$0x1] =	stream.indirect_vreg.gather [hbm4b:s5+s3], $0x80, v3, vm0, $0xb8;
	[tilespmem:$0x1E100] =	vst v63  }
0xa9: {  	v3 =	vld [tilespmem:$0x60];
	_ =	sdelay $0x4  }
0xaa: {  	v60 =	vshrl.u32 v3, $0x3  }
0xab: {  	v4 =	vmul.u32 $0x30, v60  }
0xac: {  	v3 =	vand.u32 $0x7, v3  }
0xad: {  	v3 =	vor.u32 v3, v4  }
0xae: {  	v4 =	vperm.xlane v3, v0;
	_ =	sdelay $0x1  }
0xaf: {  	v4 =	vadd.s32 v1, v4;
	_ =	sdelay $0x1  }
0xb0: {  	s0 =	sld [smem:$0x7FC];
	_ =	sdelay $0x1  }
0xb1: {  	s9 =	sld [smem:$0x7FD];
	v3 =	vperm.xlane v3, v2  }
0xb2: {  	[tilespmem:s0], [sflag:$0x1] =	stream.indirect_vreg.gather [hbm4b:s2+s3], $0x80, v4, vm0, $0xb8;
	[tilespmem:$0x1E100] =	vst v63  }
0xb3: {  	v3 =	vadd.s32 v1, v3  }
0xb4: {  	[tilespmem:s9], [sflag:$0x1] =	stream.indirect_vreg.gather [hbm4b:s4+s3], $0x80, v4, vm0, $0xb8;
	[tilespmem:$0x1E100] =	vst v63  }
0xb5: {  	s9 =	simm.s32 $0x13100  }
0xb6: {  	[tilespmem:s9], [sflag:$0x1] =	stream.indirect_vreg.gather [hbm4b:s5+s3], $0x80, v4, vm0, $0xb8;
	[tilespmem:$0x1E100] =	vst v63  }
0xb7: {  	_ = 	snop  }
0xb8: {  	[tilespmem:s10], [sflag:$0x1] =	stream.indirect_vreg.gather [hbm4b:s2+s3], $0x80, v3, vm0, $0xb8;
	[tilespmem:$0x1E100] =	vst v63  }
0xb9: {  	_ = 	snop  }
0xba: {  	[tilespmem:s11], [sflag:$0x1] =	stream.indirect_vreg.gather [hbm4b:s4+s3], $0x80, v3, vm0, $0xb8;
	[tilespmem:$0x1E100] =	vst v63  }
0xbb: {  	_ = 	snop  }
0xbc: {  	[tilespmem:s12], [sflag:$0x1] =	stream.indirect_vreg.gather [hbm4b:s5+s3], $0x80, v3, vm0, $0xb8;
	[tilespmem:$0x1E100] =	vst v63  }
0xbd: {  	v3 =	vld [tilespmem:$0x70];
	_ =	sdelay $0x4  }
0xbe: {  	v61 =	vshrl.u32 v3, $0x3  }
0xbf: {  	v4 =	vmul.u32 $0x30, v61  }
0xc0: {  	v3 =	vand.u32 $0x7, v3  }
0xc1: {  	v3 =	vor.u32 v3, v4  }
0xc2: {  	v4 =	vperm.xlane v3, v0;
	_ =	sdelay $0x1  }
0xc3: {  	v4 =	vadd.s32 v1, v4;
	_ =	sdelay $0x3  }
0xc4: {  	v3 =	vperm.xlane v3, v2  }
0xc5: {  	[tilespmem:s13], [sflag:$0x1] =	stream.indirect_vreg.gather [hbm4b:s2+s3], $0x80, v4, vm0, $0xb8;
	[tilespmem:$0x1E100] =	vst v63  }
0xc6: {  	v3 =	vadd.s32 v1, v3  }
0xc7: {  	[tilespmem:s14], [sflag:$0x1] =	stream.indirect_vreg.gather [hbm4b:s4+s3], $0x80, v4, vm0, $0xb8;
	[tilespmem:$0x1E100] =	vst v63  }
0xc8: {  	_ = 	snop  }
0xc9: {  	[tilespmem:s15], [sflag:$0x1] =	stream.indirect_vreg.gather [hbm4b:s5+s3], $0x80, v4, vm0, $0xb8;
	[tilespmem:$0x1E100] =	vst v63  }
0xca: {  	_ = 	snop  }
0xcb: {  	[tilespmem:s16], [sflag:$0x1] =	stream.indirect_vreg.gather [hbm4b:s2+s3], $0x80, v3, vm0, $0xb8;
	[tilespmem:$0x1E100] =	vst v63  }
0xcc: {  	_ = 	snop  }
0xcd: {  	[tilespmem:s17], [sflag:$0x1] =	stream.indirect_vreg.gather [hbm4b:s4+s3], $0x80, v3, vm0, $0xb8;
	[tilespmem:$0x1E100] =	vst v63  }
0xce: {  	_ = 	snop  }
0xcf: {  	[tilespmem:s18], [sflag:$0x1] =	stream.indirect_vreg.gather [hbm4b:s5+s3], $0x80, v3, vm0, $0xb8;
	[tilespmem:$0x1E100] =	vst v63  }
0xd0: {  	v3 =	vld [tilespmem:$0x80];
	_ =	sdelay $0x4  }
0xd1: {  	v62 =	vshrl.u32 v3, $0x3  }
0xd2: {  	v4 =	vmul.u32 $0x30, v62  }
0xd3: {  	v3 =	vand.u32 $0x7, v3  }
0xd4: {  	v3 =	vor.u32 v3, v4  }
0xd5: {  	v4 =	vperm.xlane v3, v0;
	_ =	sdelay $0x1  }
0xd6: {  	v4 =	vadd.s32 v1, v4;
	_ =	sdelay $0x3  }
0xd7: {  	v3 =	vperm.xlane v3, v2  }
0xd8: {  	[tilespmem:s19], [sflag:$0x1] =	stream.indirect_vreg.gather [hbm4b:s2+s3], $0x80, v4, vm0, $0xb8;
	[tilespmem:$0x1E100] =	vst v63  }
0xd9: {  	v3 =	vadd.s32 v1, v3  }
0xda: {  	[tilespmem:s20], [sflag:$0x1] =	stream.indirect_vreg.gather [hbm4b:s4+s3], $0x80, v4, vm0, $0xb8;
	[tilespmem:$0x1E100] =	vst v63  }
0xdb: {  	_ = 	snop  }
0xdc: {  	[tilespmem:s21], [sflag:$0x1] =	stream.indirect_vreg.gather [hbm4b:s5+s3], $0x80, v4, vm0, $0xb8;
	[tilespmem:$0x1E100] =	vst v63  }
0xdd: {  	_ = 	snop  }
0xde: {  	[tilespmem:s22], [sflag:$0x1] =	stream.indirect_vreg.gather [hbm4b:s2+s3], $0x80, v3, vm0, $0xb8;
	[tilespmem:$0x1E100] =	vst v63  }
0xdf: {  	_ = 	snop  }
0xe0: {  	[tilespmem:s23], [sflag:$0x1] =	stream.indirect_vreg.gather [hbm4b:s4+s3], $0x80, v3, vm0, $0xb8;
	[tilespmem:$0x1E100] =	vst v63  }
0xe1: {  	_ = 	snop  }
0xe2: {  	[tilespmem:s24], [sflag:$0x1] =	stream.indirect_vreg.gather [hbm4b:s5+s3], $0x80, v3, vm0, $0xb8;
	[tilespmem:$0x1E100] =	vst v63  }
0xe3: {  	v3 =	vld [tilespmem:$0x90];
	_ =	sdelay $0x4  }
0xe4: {  	v63 =	vshrl.u32 v3, $0x3  }
0xe5: {  	v4 =	vmul.u32 $0x30, v63  }
0xe6: {  	v3 =	vand.u32 $0x7, v3  }
0xe7: {  	v3 =	vor.u32 v3, v4  }
0xe8: {  	v4 =	vperm.xlane v3, v0;
	_ =	sdelay $0x1  }
0xe9: {  	v4 =	vadd.s32 v1, v4;
	_ =	sdelay $0x3  }
0xea: {  	v3 =	vperm.xlane v3, v2  }
0xeb: {  	[tilespmem:s25], [sflag:$0x1] =	stream.indirect_vreg.gather [hbm4b:s2+s3], $0x80, v4, vm0, $0xb8;
	[tilespmem:$0x1E100] =	vst v63  }
0xec: {  	v3 =	vadd.s32 v1, v3  }
0xed: {  	[tilespmem:s26], [sflag:$0x1] =	stream.indirect_vreg.gather [hbm4b:s4+s3], $0x80, v4, vm0, $0xb8;
	[tilespmem:$0x1E100] =	vst v63  }
0xee: {  	_ = 	snop  }
0xef: {  	[tilespmem:s28], [sflag:$0x1] =	stream.indirect_vreg.gather [hbm4b:s5+s3], $0x80, v4, vm0, $0xb8;
	[tilespmem:$0x1E100] =	vst v63  }
0xf0: {  	_ = 	snop  }
0xf1: {  	[tilespmem:s29], [sflag:$0x1] =	stream.indirect_vreg.gather [hbm4b:s2+s3], $0x80, v3, vm0, $0xb8;
	[tilespmem:$0x1E100] =	vst v63  }
0xf2: {  	_ = 	snop  }
0xf3: {  	[tilespmem:s30], [sflag:$0x1] =	stream.indirect_vreg.gather [hbm4b:s4+s3], $0x80, v3, vm0, $0xb8;
	[tilespmem:$0x1E100] =	vst v63  }
0xf4: {  	_ = 	snop  }
0xf5: {  	[tilespmem:s31], [sflag:$0x1] =	stream.indirect_vreg.gather [hbm4b:s5+s3], $0x80, v3, vm0, $0xb8;
	[tilespmem:$0x1E100] =	vst v63  }
0xf6: {  	_ =	swait.ge [sflag:s1], $0xF000  }
0xf7: {  	[sflag:s1] =	ssyncset.done $0x0  }
0xf8: {  	[sflag:s1] =	ssyncadd.s32 $0xFFFF1000  }
0xf9: {  	_ =	swait.ge [sflag:s1], $0xF000  }
0xfa: {  	p0 =	sne.s32 s6, $0x1;
	[sflag:s1] =	ssyncset.done $0x0  }
.Ltmp0:
0xfb: {  	s9 =	rddreg [dreg:$0x5];
	[sflag:s1] =	ssyncadd.s32 $0xFFFF1000;
	(pc) =	sbr.rel @p0 .LBB2_1-.Ltmp0, $4  }
0xfc: {  	[hbm4b:s9+s3] =	stream.linear.scatter [tilespmem:s8], [sflag:$0x2], $0x1E000, $0x38;
	[tilespmem:$0x1E100] =	vst v63  }
0xfd: {  	_ =	swait.ge [sflag:s7], $0x1E000  }
0xfe: {  	[sflag:s7] =	ssyncset.done $0x0  }
0xff: {  	s6 =	sadd.s32 $0xFFFFFFFF, s6;
	[sflag:s7] =	ssyncadd.s32 $0xFFFE2000  }
0x100: {  	_ =	sfence.sel $0x180000  }
0x101: {  	[bflag:$0x0] =	sbarrier.arrive $0xFFFF  }
0x102: {  	_ =	strace $0x90000047  }
0x103: {  	s0 =	stileid.u32;
	[bflag:$0x2] =	sbarrier.arrive $0xFFFF  }
0x104: {  	p0 =	sne.s32 s0, $0x0;
	s0 =	rddreg [dreg:$0x3]  }
0x105: {  	s0 =	sadd.s32 @!p0 $0x100000, s0  }
0x106: {  	[sflag:s0] =	ssyncadd.tile.s32 @!p0 $0x1;
	_ =	shalt  }
.Lfunc_end2:
_tile_overlayer_lowered:
.L_overlay_start_2:
0x107: {  	(tag) =	ssettag $0x2  }
0x108: {  	s0 =	rddreg [dreg:$0x0];
	s2 =	stileid.u32  }
0x109: {  	s1 =	rddreg [dreg:$0x1];
	p0 =	sne.s32 s2, $0x0  }
0x10a: {  	s3 =	rddreg [dreg:$0x2];
	[bflag:$0x3] =	sbarrier.arrive $0xFFFF;
	s2 =	simm.s32 @!p0 $0x1C02  }
0x10b: {  	[timem:s3], [sflag:s2] =	dma.local @!p0 [hbm:s0], s1  }
0x10c: {  	s0 =	simm.s32 @!p0 $0x2  }
0x10d: {  	_ =	swait.ge @!p0 [sflag:s0], s1  }
0x10e: {  	s1 =	ssub.s32 @!p0 $0x0, s1;
	[sflag:s0] =	ssyncset.done @!p0 $0x0  }
0x10f: {  	[sflag:s0] =	ssyncadd.s32 @!p0 s1  }
0x110: {  	[bflag:$0x3] =	sbarrier.arrive $0xFFFF  }
0x111: {  	_ =	shalt  }

</sc_bundles>
